<compile_context>
chip_gen: v7x
topology: tpu7x:2x2x1
jax: 0.10.2.dev20260603
libtpu: 0.0.44.dev20260713+nightly
codegen_flags: <defaults>
</compile_context>

<pallas_src>
import functools

import jax
import jax.numpy as jnp
from jax import lax
from jax.experimental import pallas as pl
from jax.experimental.pallas import tpu as pltpu
from jax.experimental.pallas import tpu_sc as plsc

D = 128
NC = 2
NS = 16
NW = NC * NS
CHUNK = 128
MM_BLOCK = 2000


def _seg_sum_partials(h, src_r, dst_r, init, n_nodes, n_pad, k_chunks):
    rows_init = n_pad // NS
    rows_out = (n_nodes // NS) // 8 * 8
    mesh = plsc.VectorSubcoreMesh(
        core_axis_name="c", subcore_axis_name="s",
        num_cores=NC, num_subcores=NS)

    @functools.partial(
        pl.kernel,
        out_type=jax.ShapeDtypeStruct((NC, n_nodes, D), jnp.float32),
        mesh=mesh,
        scratch_types=[
            pltpu.VMEM((k_chunks, CHUNK), jnp.int32),
            pltpu.VMEM((k_chunks, CHUNK), jnp.int32),
            pltpu.VMEM((CHUNK, D), jnp.float32),
            pltpu.VMEM_SHARED((n_pad, D), jnp.float32),
            pltpu.SemaphoreType.DMA,
        ],
    )
    def kern(h_hbm, src_hbm, dst_hbm, init_hbm, out_hbm,
             src_v, dst_v, rows_v, acc, sem):
        cid = lax.axis_index("c")
        sid = lax.axis_index("s")
        w = cid * NS + sid
        pltpu.sync_copy(src_hbm.at[w], src_v)
        pltpu.sync_copy(dst_hbm.at[w], dst_v)
        pltpu.sync_copy(init_hbm.at[cid],
                        acc.at[pl.ds(sid * rows_init, rows_init)])
        plsc.subcore_barrier()

        def body(j, carry):
            pltpu.async_copy(h_hbm.at[src_v.at[j]], rows_v, sem).wait()
            pltpu.sync_copy(rows_v, acc.at[dst_v.at[j]], add=True)
            return carry

        lax.fori_loop(0, k_chunks, body, 0)
        plsc.subcore_barrier()
        pltpu.sync_copy(acc.at[pl.ds(sid * rows_out, rows_out)],
                        out_hbm.at[cid, pl.ds(sid * rows_out, rows_out)])

        @pl.when(sid == NS - 1)
        def _():
            tail = n_nodes - NS * rows_out
            if tail:
                pltpu.sync_copy(
                    acc.at[pl.ds(NS * rows_out, tail)],
                    out_hbm.at[cid, pl.ds(NS * rows_out, tail)])

    return kern(h, src_r, dst_r, init)


def _mm(x, w):
    n = x.shape[0]

    def body(x_ref, w_ref, o_ref):
        o_ref[...] = jnp.dot(x_ref[...], w_ref[...],
                             preferred_element_type=jnp.float32)

    return pl.pallas_call(
        body,
        grid=(n // MM_BLOCK,),
        in_specs=[pl.BlockSpec((MM_BLOCK, D), lambda i: (i, 0)),
                  pl.BlockSpec((D, D), lambda i: (0, 0))],
        out_specs=pl.BlockSpec((MM_BLOCK, D), lambda i: (i, 0)),
        out_shape=jax.ShapeDtypeStruct((n, D), jnp.float32),
    )(x, w)


def _fused_relu_mm(p, w):
    n = p.shape[1]

    def body(p_ref, w_ref, o_ref):
        h = jnp.maximum(p_ref[0] + p_ref[1], 0.0)
        o_ref[...] = jnp.dot(h, w_ref[...], preferred_element_type=jnp.float32)

    return pl.pallas_call(
        body,
        grid=(n // MM_BLOCK,),
        in_specs=[pl.BlockSpec((NC, MM_BLOCK, D), lambda i: (0, i, 0)),
                  pl.BlockSpec((D, D), lambda i: (0, 0))],
        out_specs=pl.BlockSpec((MM_BLOCK, D), lambda i: (i, 0)),
        out_shape=jax.ShapeDtypeStruct((n, D), jnp.float32),
    )(p, w)


def _partial_add(q):
    n = q.shape[1]

    def body(q_ref, o_ref):
        o_ref[...] = q_ref[0] + q_ref[1]

    return pl.pallas_call(
        body,
        grid=(n // MM_BLOCK,),
        in_specs=[pl.BlockSpec((NC, MM_BLOCK, D), lambda i: (0, i, 0))],
        out_specs=pl.BlockSpec((MM_BLOCK, D), lambda i: (i, 0)),
        out_shape=jax.ShapeDtypeStruct((n, D), jnp.float32),
    )(q)


def kernel(x, edge_index, W1, b1, W2, b2):
    n_nodes = x.shape[0]
    e = edge_index.shape[1]
    k_chunks = -(-e // (NW * CHUNK))
    e_pad = NW * CHUNK * k_chunks
    src = edge_index[0]
    dst = edge_index[1]
    if e_pad != e:
        pad = e_pad - e
        src = jnp.concatenate([src, jnp.zeros((pad,), jnp.int32)])
        dst = jnp.concatenate([dst, jnp.full((pad,), n_nodes, jnp.int32)])
    src_r = src.reshape(NW, k_chunks, CHUNK)
    dst_r = dst.reshape(NW, k_chunks, CHUNK)

    n_pad = -(-(n_nodes + 1) // NS) * NS
    rows_init = n_pad // NS
    zero_init = jnp.zeros((rows_init, D), jnp.float32)
    init1 = jnp.stack([jnp.broadcast_to(b1, (rows_init, D)), zero_init])
    init2 = jnp.stack([jnp.broadcast_to(b2, (rows_init, D)), zero_init])

    h1 = _mm(x, W1)
    p = _seg_sum_partials(h1, src_r, dst_r, init1, n_nodes, n_pad, k_chunks)
    h2 = _fused_relu_mm(p, W2)
    q = _seg_sum_partials(h2, src_r, dst_r, init2, n_nodes, n_pad, k_chunks)
    return _partial_add(q)

# --- scband reference (transcript-rebuilt; emitter-appended) ---
"""Pipeline reference for scband-gcnscatter-gather-4629974745747 (READ-ONLY COPY).

The authoritative reference and input builder live on the scoring server;
editing this copy changes nothing except your own understanding.
"""

import jax, jax.numpy as jnp
import numpy as np

N = 10000
E = 320000
D_IN = 128
D_HID = 128
D_OUT = 128


def setup_inputs(seed: int = 0) -> dict:
    key = jax.random.key(seed)
    k1, k2, k3, k4, k5, k6 = jax.random.split(key, 6)
    x = jax.random.normal(k1, (N, D_IN), dtype=jnp.float32)
    edge_index = jax.random.randint(k2, (2, E), 0, N, dtype=jnp.int32)
    # Learned parameters (Linear weights stored as [in, out]; bias per layer)
    W1 = jax.random.normal(k3, (D_IN, D_HID), dtype=jnp.float32) / np.sqrt(D_IN)
    b1 = jax.random.normal(k4, (D_HID,), dtype=jnp.float32) * 0.01
    W2 = jax.random.normal(k5, (D_HID, D_OUT), dtype=jnp.float32) / np.sqrt(D_HID)
    b2 = jax.random.normal(k6, (D_OUT,), dtype=jnp.float32) * 0.01
    return {"x": x, "edge_index": edge_index, "W1": W1, "b1": b1, "W2": W2, "b2": b2}


def _gcn_conv_scatter_gather(x, edge_index, W, b):
    # x = self.lin(x)
    h = x @ W
    # gather source node features
    src_nodes = edge_index[0]
    source_node_feats = jnp.take(h, src_nodes, axis=0)
    # scatter_add into destination nodes
    dest_nodes = edge_index[1]
    out = jax.ops.segment_sum(source_node_feats, dest_nodes, num_segments=h.shape[0])
    out = out + b
    return out


def reference(x, edge_index, W1, b1, W2, b2):
    h = _gcn_conv_scatter_gather(x, edge_index, W1, b1)
    h = jax.nn.relu(h)
    out = _gcn_conv_scatter_gather(h, edge_index, W2, b2)
    return out

if __name__ == "__main__":
    import jax
    _d = setup_inputs()
    print(jax.jit(kernel)(*tuple(_d.values())))

</pallas_src>

<mosaic_0001>
#map = affine_map<(d0, d1) -> (0, 0)>
#map1 = affine_map<(d0, d1) -> (0, 0, 0)>
module attributes {stable_mosaic.version = 14 : i64} {
  func.func @kern(%arg0: i32, %arg1: i32, %arg2: memref<10000x128xf32, #tpu.memory_space<hbm>>, %arg3: memref<32x79x128xi32, #tpu.memory_space<hbm>>, %arg4: memref<32x79x128xi32, #tpu.memory_space<hbm>>, %arg5: memref<2x626x128xf32, #tpu.memory_space<hbm>>, %arg6: memref<2x10000x128xf32, #tpu.memory_space<hbm>>, %arg7: memref<79x128xi32, #tpu.memory_space<vmem>>, %arg8: memref<79x128xi32, #tpu.memory_space<vmem>>, %arg9: memref<128x128xf32, #tpu.memory_space<vmem>>, %arg10: memref<10016x128xf32, #tpu.memory_space<vmem_shared>>, %arg11: memref<!tpu.dma_semaphore, #tpu.memory_space<semaphore_mem>>) attributes {dimension_semantics = [#tpu.dimension_semantics<core_parallel>, #tpu.dimension_semantics<subcore_parallel>], iteration_bounds = array<i64: 2, 16>, scalar_prefetch = 0 : i64, scratch_operands = 5 : i64, tpu.core_type = #tpu.core_type<sc_vector_subcore>, window_params = [{transform_indices = #map}, {transform_indices = #map1}, {transform_indices = #map1}, {transform_indices = #map1}, {transform_indices = #map1}]} {
    %mul3A = arith.constant 16 : i32
    %mul3A_0 = arith.muli %arg0, %mul3A : i32
    %add3A = arith.addi %mul3A_0, %arg1 : i32
    "tpu.region"() ({
      %run_scoped3A = tpu.sem_alloc : memref<!tpu.dma_semaphore, #tpu.memory_space<semaphore_mem>>
      %dma_start3A = arith.constant 0 : i32
      %dma_start3A_15 = arith.constant 0 : i32
      %dma_start3A_16 = tpu.memref_slice %arg3[%add3A, %dma_start3A, %dma_start3A_15] : memref<32x79x128xi32, #tpu.memory_space<hbm>> -> memref<1x79x128xi32, #tpu.memory_space<hbm>>
      %dma_start3A_17 = tpu.memref_squeeze %dma_start3A_16 : memref<1x79x128xi32, #tpu.memory_space<hbm>> -> memref<79x128xi32, #tpu.memory_space<hbm>>
      %dma_start3A_18 = arith.constant 0 : i32
      %dma_start3A_19 = arith.constant 0 : i32
      %dma_start3A_20 = tpu.memref_slice %arg3[%add3A, %dma_start3A_18, %dma_start3A_19] : memref<32x79x128xi32, #tpu.memory_space<hbm>> -> memref<1x79x128xi32, #tpu.memory_space<hbm>>
      %dma_start3A_21 = tpu.memref_squeeze %dma_start3A_20 : memref<1x79x128xi32, #tpu.memory_space<hbm>> -> memref<79x128xi32, #tpu.memory_space<hbm>>
      tpu.enqueue_dma source(%dma_start3A_21 : memref<79x128xi32, #tpu.memory_space<hbm>>) target(%arg7 : memref<79x128xi32, #tpu.memory_space<vmem>>) target_semaphore(%run_scoped3A : memref<!tpu.dma_semaphore, #tpu.memory_space<semaphore_mem>>)
      %dma_wait3A = arith.constant 0 : i32
      %dma_wait3A_22 = arith.constant 0 : i32
      %dma_wait3A_23 = tpu.memref_slice %arg3[%add3A, %dma_wait3A, %dma_wait3A_22] : memref<32x79x128xi32, #tpu.memory_space<hbm>> -> memref<1x79x128xi32, #tpu.memory_space<hbm>>
      %dma_wait3A_24 = tpu.memref_squeeze %dma_wait3A_23 : memref<1x79x128xi32, #tpu.memory_space<hbm>> -> memref<79x128xi32, #tpu.memory_space<hbm>>
      %dma_wait3A_25 = arith.constant 0 : i32
      %dma_wait3A_26 = arith.constant 0 : i32
      %dma_wait3A_27 = tpu.memref_slice %arg3[%add3A, %dma_wait3A_25, %dma_wait3A_26] : memref<32x79x128xi32, #tpu.memory_space<hbm>> -> memref<1x79x128xi32, #tpu.memory_space<hbm>>
      %dma_wait3A_28 = tpu.memref_squeeze %dma_wait3A_27 : memref<1x79x128xi32, #tpu.memory_space<hbm>> -> memref<79x128xi32, #tpu.memory_space<hbm>>
      tpu.wait_dma2 semaphore(%run_scoped3A : memref<!tpu.dma_semaphore, #tpu.memory_space<semaphore_mem>>) src(%dma_wait3A_28 : memref<79x128xi32, #tpu.memory_space<hbm>>) dst(%arg7 : memref<79x128xi32, #tpu.memory_space<vmem>>)
      tpu.yield
    }) : () -> ()
    "tpu.region"() ({
      %run_scoped3A = tpu.sem_alloc : memref<!tpu.dma_semaphore, #tpu.memory_space<semaphore_mem>>
      %dma_start3A = arith.constant 0 : i32
      %dma_start3A_15 = arith.constant 0 : i32
      %dma_start3A_16 = tpu.memref_slice %arg4[%add3A, %dma_start3A, %dma_start3A_15] : memref<32x79x128xi32, #tpu.memory_space<hbm>> -> memref<1x79x128xi32, #tpu.memory_space<hbm>>
      %dma_start3A_17 = tpu.memref_squeeze %dma_start3A_16 : memref<1x79x128xi32, #tpu.memory_space<hbm>> -> memref<79x128xi32, #tpu.memory_space<hbm>>
      %dma_start3A_18 = arith.constant 0 : i32
      %dma_start3A_19 = arith.constant 0 : i32
      %dma_start3A_20 = tpu.memref_slice %arg4[%add3A, %dma_start3A_18, %dma_start3A_19] : memref<32x79x128xi32, #tpu.memory_space<hbm>> -> memref<1x79x128xi32, #tpu.memory_space<hbm>>
      %dma_start3A_21 = tpu.memref_squeeze %dma_start3A_20 : memref<1x79x128xi32, #tpu.memory_space<hbm>> -> memref<79x128xi32, #tpu.memory_space<hbm>>
      tpu.enqueue_dma source(%dma_start3A_21 : memref<79x128xi32, #tpu.memory_space<hbm>>) target(%arg8 : memref<79x128xi32, #tpu.memory_space<vmem>>) target_semaphore(%run_scoped3A : memref<!tpu.dma_semaphore, #tpu.memory_space<semaphore_mem>>)
      %dma_wait3A = arith.constant 0 : i32
      %dma_wait3A_22 = arith.constant 0 : i32
      %dma_wait3A_23 = tpu.memref_slice %arg4[%add3A, %dma_wait3A, %dma_wait3A_22] : memref<32x79x128xi32, #tpu.memory_space<hbm>> -> memref<1x79x128xi32, #tpu.memory_space<hbm>>
      %dma_wait3A_24 = tpu.memref_squeeze %dma_wait3A_23 : memref<1x79x128xi32, #tpu.memory_space<hbm>> -> memref<79x128xi32, #tpu.memory_space<hbm>>
      %dma_wait3A_25 = arith.constant 0 : i32
      %dma_wait3A_26 = arith.constant 0 : i32
      %dma_wait3A_27 = tpu.memref_slice %arg4[%add3A, %dma_wait3A_25, %dma_wait3A_26] : memref<32x79x128xi32, #tpu.memory_space<hbm>> -> memref<1x79x128xi32, #tpu.memory_space<hbm>>
      %dma_wait3A_28 = tpu.memref_squeeze %dma_wait3A_27 : memref<1x79x128xi32, #tpu.memory_space<hbm>> -> memref<79x128xi32, #tpu.memory_space<hbm>>
      tpu.wait_dma2 semaphore(%run_scoped3A : memref<!tpu.dma_semaphore, #tpu.memory_space<semaphore_mem>>) src(%dma_wait3A_28 : memref<79x128xi32, #tpu.memory_space<hbm>>) dst(%arg8 : memref<79x128xi32, #tpu.memory_space<vmem>>)
      tpu.yield
    }) : () -> ()
    %mul3A_1 = arith.constant 626 : i32
    %mul3A_2 = arith.muli %arg1, %mul3A_1 : i32
    "tpu.region"() ({
      %run_scoped3A = tpu.sem_alloc : memref<!tpu.dma_semaphore, #tpu.memory_space<semaphore_mem>>
      %dma_start3A = arith.constant 0 : i32
      %dma_start3A_15 = tpu.memref_slice %arg10[%mul3A_2, %dma_start3A] : memref<10016x128xf32, #tpu.memory_space<vmem_shared>> -> memref<626x128xf32, #tpu.memory_space<vmem_shared>>
      %dma_start3A_16 = arith.constant 0 : i32
      %dma_start3A_17 = arith.constant 0 : i32
      %dma_start3A_18 = tpu.memref_slice %arg5[%arg0, %dma_start3A_16, %dma_start3A_17] : memref<2x626x128xf32, #tpu.memory_space<hbm>> -> memref<1x626x128xf32, #tpu.memory_space<hbm>>
      %dma_start3A_19 = tpu.memref_squeeze %dma_start3A_18 : memref<1x626x128xf32, #tpu.memory_space<hbm>> -> memref<626x128xf32, #tpu.memory_space<hbm>>
      tpu.enqueue_dma source(%dma_start3A_19 : memref<626x128xf32, #tpu.memory_space<hbm>>) target(%dma_start3A_15 : memref<626x128xf32, #tpu.memory_space<vmem_shared>>) target_semaphore(%run_scoped3A : memref<!tpu.dma_semaphore, #tpu.memory_space<semaphore_mem>>)
      %dma_wait3A = arith.constant 0 : i32
      %dma_wait3A_20 = tpu.memref_slice %arg10[%mul3A_2, %dma_wait3A] : memref<10016x128xf32, #tpu.memory_space<vmem_shared>> -> memref<626x128xf32, #tpu.memory_space<vmem_shared>>
      %dma_wait3A_21 = arith.constant 0 : i32
      %dma_wait3A_22 = arith.constant 0 : i32
      %dma_wait3A_23 = tpu.memref_slice %arg5[%arg0, %dma_wait3A_21, %dma_wait3A_22] : memref<2x626x128xf32, #tpu.memory_space<hbm>> -> memref<1x626x128xf32, #tpu.memory_space<hbm>>
      %dma_wait3A_24 = tpu.memref_squeeze %dma_wait3A_23 : memref<1x626x128xf32, #tpu.memory_space<hbm>> -> memref<626x128xf32, #tpu.memory_space<hbm>>
      tpu.wait_dma2 semaphore(%run_scoped3A : memref<!tpu.dma_semaphore, #tpu.memory_space<semaphore_mem>>) src(%dma_wait3A_24 : memref<626x128xf32, #tpu.memory_space<hbm>>) dst(%dma_wait3A_20 : memref<626x128xf32, #tpu.memory_space<vmem_shared>>)
      tpu.yield
    }) : () -> ()
    %barrier3A = arith.constant 0 : index
    tpu.barrier barrier_id(%barrier3A)
    %scan3A = arith.constant 0 : i32
    %scan3A_3 = arith.constant 0 : i32
    %scan3A_4 = arith.constant 79 : i32
    %scan3A_5 = arith.addi %scan3A_3, %scan3A_4 : i32
    %scan3A_6 = arith.constant 1 : i32
    scf.for %scan3A_15 = %scan3A_3 to %scan3A_5 step %scan3A_6  : i32 {
      %dma_start3A = arith.constant 0 : i32
      %dma_start3A_16 = tpu.memref_slice %arg7[%scan3A_15, %dma_start3A] : memref<79x128xi32, #tpu.memory_space<vmem>> -> memref<1x128xi32, #tpu.memory_space<vmem>>
      %dma_start3A_17 = tpu.memref_squeeze %dma_start3A_16 : memref<1x128xi32, #tpu.memory_space<vmem>> -> memref<128xi32, #tpu.memory_space<vmem>>
      %dma_start3A_18 = arith.constant 0 : i32
      %dma_start3A_19 = arith.constant 0 : i32
      %dma_start3A_20 = tpu.memref_slice %arg2[%dma_start3A_18, %dma_start3A_19] : memref<10000x128xf32, #tpu.memory_space<hbm>> -> memref<10000x128xf32, #tpu.memory_space<hbm>>
      tpu.enqueue_indirect_dma source(%dma_start3A_20 : memref<10000x128xf32, #tpu.memory_space<hbm>>) target(%arg9 : memref<128x128xf32, #tpu.memory_space<vmem>>) offsets(%dma_start3A_17 : memref<128xi32, #tpu.memory_space<vmem>>) semaphore(%arg11 : memref<!tpu.dma_semaphore, #tpu.memory_space<semaphore_mem>>)
      %dma_wait3A = arith.constant 0 : i32
      %dma_wait3A_21 = tpu.memref_slice %arg7[%scan3A_15, %dma_wait3A] : memref<79x128xi32, #tpu.memory_space<vmem>> -> memref<1x128xi32, #tpu.memory_space<vmem>>
      %dma_wait3A_22 = tpu.memref_squeeze %dma_wait3A_21 : memref<1x128xi32, #tpu.memory_space<vmem>> -> memref<128xi32, #tpu.memory_space<vmem>>
      %dma_wait3A_23 = arith.constant 0 : i32
      %dma_wait3A_24 = arith.constant 0 : i32
      %dma_wait3A_25 = tpu.memref_slice %arg2[%dma_wait3A_23, %dma_wait3A_24] : memref<10000x128xf32, #tpu.memory_space<hbm>> -> memref<10000x128xf32, #tpu.memory_space<hbm>>
      tpu.wait_indirect_dma semaphore(%arg11 : memref<!tpu.dma_semaphore, #tpu.memory_space<semaphore_mem>>) src(%dma_wait3A_25 : memref<10000x128xf32, #tpu.memory_space<hbm>>) dst(%arg9 : memref<128x128xf32, #tpu.memory_space<vmem>>)
      "tpu.region"() ({
        %run_scoped3A = tpu.sem_alloc : memref<!tpu.dma_semaphore, #tpu.memory_space<semaphore_mem>>
        %dma_start3A_26 = arith.constant 0 : i32
        %dma_start3A_27 = tpu.memref_slice %arg8[%scan3A_15, %dma_start3A_26] : memref<79x128xi32, #tpu.memory_space<vmem>> -> memref<1x128xi32, #tpu.memory_space<vmem>>
        %dma_start3A_28 = tpu.memref_squeeze %dma_start3A_27 : memref<1x128xi32, #tpu.memory_space<vmem>> -> memref<128xi32, #tpu.memory_space<vmem>>
        %dma_start3A_29 = arith.constant 0 : i32
        %dma_start3A_30 = arith.constant 0 : i32
        %dma_start3A_31 = tpu.memref_slice %arg10[%dma_start3A_29, %dma_start3A_30] : memref<10016x128xf32, #tpu.memory_space<vmem_shared>> -> memref<10016x128xf32, #tpu.memory_space<vmem_shared>>
        tpu.enqueue_indirect_dma source(%arg9 : memref<128x128xf32, #tpu.memory_space<vmem>>) target(%dma_start3A_31 : memref<10016x128xf32, #tpu.memory_space<vmem_shared>>) offsets(%dma_start3A_28 : memref<128xi32, #tpu.memory_space<vmem>>) semaphore(%run_scoped3A : memref<!tpu.dma_semaphore, #tpu.memory_space<semaphore_mem>>) {add = true}
        %dma_wait3A_32 = arith.constant 0 : i32
        %dma_wait3A_33 = tpu.memref_slice %arg8[%scan3A_15, %dma_wait3A_32] : memref<79x128xi32, #tpu.memory_space<vmem>> -> memref<1x128xi32, #tpu.memory_space<vmem>>
        %dma_wait3A_34 = tpu.memref_squeeze %dma_wait3A_33 : memref<1x128xi32, #tpu.memory_space<vmem>> -> memref<128xi32, #tpu.memory_space<vmem>>
        %dma_wait3A_35 = arith.constant 0 : i32
        %dma_wait3A_36 = arith.constant 0 : i32
        %dma_wait3A_37 = tpu.memref_slice %arg10[%dma_wait3A_35, %dma_wait3A_36] : memref<10016x128xf32, #tpu.memory_space<vmem_shared>> -> memref<10016x128xf32, #tpu.memory_space<vmem_shared>>
        tpu.wait_indirect_dma semaphore(%run_scoped3A : memref<!tpu.dma_semaphore, #tpu.memory_space<semaphore_mem>>) src(%arg9 : memref<128x128xf32, #tpu.memory_space<vmem>>) dst(%dma_wait3A_37 : memref<10016x128xf32, #tpu.memory_space<vmem_shared>>)
        tpu.yield
      }) : () -> ()
    }
    %scan3A_7 = arith.constant 79 : i32
    %barrier3A_8 = arith.constant 0 : index
    tpu.barrier barrier_id(%barrier3A_8)
    %mul3A_9 = arith.constant 624 : i32
    %mul3A_10 = arith.muli %arg1, %mul3A_9 : i32
    %mul3A_11 = arith.constant 624 : i32
    %mul3A_12 = arith.muli %arg1, %mul3A_11 : i32
    "tpu.region"() ({
      %run_scoped3A = tpu.sem_alloc : memref<!tpu.dma_semaphore, #tpu.memory_space<semaphore_mem>>
      %dma_start3A = arith.constant 0 : i32
      %dma_start3A_15 = tpu.memref_slice %arg6[%arg0, %mul3A_12, %dma_start3A] : memref<2x10000x128xf32, #tpu.memory_space<hbm>> -> memref<1x624x128xf32, #tpu.memory_space<hbm>>
      %dma_start3A_16 = tpu.memref_squeeze %dma_start3A_15 : memref<1x624x128xf32, #tpu.memory_space<hbm>> -> memref<624x128xf32, #tpu.memory_space<hbm>>
      %dma_start3A_17 = arith.constant 0 : i32
      %dma_start3A_18 = tpu.memref_slice %arg10[%mul3A_10, %dma_start3A_17] : memref<10016x128xf32, #tpu.memory_space<vmem_shared>> -> memref<624x128xf32, #tpu.memory_space<vmem_shared>>
      tpu.enqueue_dma source(%dma_start3A_18 : memref<624x128xf32, #tpu.memory_space<vmem_shared>>) target(%dma_start3A_16 : memref<624x128xf32, #tpu.memory_space<hbm>>) target_semaphore(%run_scoped3A : memref<!tpu.dma_semaphore, #tpu.memory_space<semaphore_mem>>)
      %dma_wait3A = arith.constant 0 : i32
      %dma_wait3A_19 = tpu.memref_slice %arg6[%arg0, %mul3A_12, %dma_wait3A] : memref<2x10000x128xf32, #tpu.memory_space<hbm>> -> memref<1x624x128xf32, #tpu.memory_space<hbm>>
      %dma_wait3A_20 = tpu.memref_squeeze %dma_wait3A_19 : memref<1x624x128xf32, #tpu.memory_space<hbm>> -> memref<624x128xf32, #tpu.memory_space<hbm>>
      %dma_wait3A_21 = arith.constant 0 : i32
      %dma_wait3A_22 = tpu.memref_slice %arg10[%mul3A_10, %dma_wait3A_21] : memref<10016x128xf32, #tpu.memory_space<vmem_shared>> -> memref<624x128xf32, #tpu.memory_space<vmem_shared>>
      tpu.wait_dma2 semaphore(%run_scoped3A : memref<!tpu.dma_semaphore, #tpu.memory_space<semaphore_mem>>) src(%dma_wait3A_22 : memref<624x128xf32, #tpu.memory_space<vmem_shared>>) dst(%dma_wait3A_20 : memref<624x128xf32, #tpu.memory_space<hbm>>)
      tpu.yield
    }) : () -> ()
    %eq3A = arith.constant 15 : i32
    %eq3A_13 = arith.cmpi eq, %arg1, %eq3A : i32
    %convert_element_type3A = arith.extui %eq3A_13 : i1 to i32
    %cond3A = arith.constant 0 : i32
    %cond3A_14 = arith.cmpi ne, %convert_element_type3A, %cond3A : i32
    scf.if %cond3A_14 {
      "tpu.region"() ({
        %run_scoped3A = tpu.sem_alloc : memref<!tpu.dma_semaphore, #tpu.memory_space<semaphore_mem>>
        %dma_start3A = arith.constant 9984 : i32
        %dma_start3A_15 = arith.constant 0 : i32
        %dma_start3A_16 = tpu.memref_slice %arg6[%arg0, %dma_start3A, %dma_start3A_15] : memref<2x10000x128xf32, #tpu.memory_space<hbm>> -> memref<1x16x128xf32, #tpu.memory_space<hbm>>
        %dma_start3A_17 = tpu.memref_squeeze %dma_start3A_16 : memref<1x16x128xf32, #tpu.memory_space<hbm>> -> memref<16x128xf32, #tpu.memory_space<hbm>>
        %dma_start3A_18 = arith.constant 9984 : i32
        %dma_start3A_19 = arith.constant 0 : i32
        %dma_start3A_20 = tpu.memref_slice %arg10[%dma_start3A_18, %dma_start3A_19] : memref<10016x128xf32, #tpu.memory_space<vmem_shared>> -> memref<16x128xf32, #tpu.memory_space<vmem_shared>>
        tpu.enqueue_dma source(%dma_start3A_20 : memref<16x128xf32, #tpu.memory_space<vmem_shared>>) target(%dma_start3A_17 : memref<16x128xf32, #tpu.memory_space<hbm>>) target_semaphore(%run_scoped3A : memref<!tpu.dma_semaphore, #tpu.memory_space<semaphore_mem>>)
        %dma_wait3A = arith.constant 9984 : i32
        %dma_wait3A_21 = arith.constant 0 : i32
        %dma_wait3A_22 = tpu.memref_slice %arg6[%arg0, %dma_wait3A, %dma_wait3A_21] : memref<2x10000x128xf32, #tpu.memory_space<hbm>> -> memref<1x16x128xf32, #tpu.memory_space<hbm>>
        %dma_wait3A_23 = tpu.memref_squeeze %dma_wait3A_22 : memref<1x16x128xf32, #tpu.memory_space<hbm>> -> memref<16x128xf32, #tpu.memory_space<hbm>>
        %dma_wait3A_24 = arith.constant 9984 : i32
        %dma_wait3A_25 = arith.constant 0 : i32
        %dma_wait3A_26 = tpu.memref_slice %arg10[%dma_wait3A_24, %dma_wait3A_25] : memref<10016x128xf32, #tpu.memory_space<vmem_shared>> -> memref<16x128xf32, #tpu.memory_space<vmem_shared>>
        tpu.wait_dma2 semaphore(%run_scoped3A : memref<!tpu.dma_semaphore, #tpu.memory_space<semaphore_mem>>) src(%dma_wait3A_26 : memref<16x128xf32, #tpu.memory_space<vmem_shared>>) dst(%dma_wait3A_23 : memref<16x128xf32, #tpu.memory_space<hbm>>)
        tpu.yield
      }) : () -> ()
    } else {
    }
    return
  }
}

#map = affine_map<(d0, d1) -> (0, 0)>
#map1 = affine_map<(d0, d1) -> (0, 0, 0)>
module attributes {stable_mosaic.version = 14 : i64} {
  func.func @kern(%arg0: i32, %arg1: i32, %arg2: memref<10000x128xf32, #tpu.memory_space<hbm>>, %arg3: memref<32x79x128xi32, #tpu.memory_space<hbm>>, %arg4: memref<32x79x128xi32, #tpu.memory_space<hbm>>, %arg5: memref<2x626x128xf32, #tpu.memory_space<hbm>>, %arg6: memref<2x10000x128xf32, #tpu.memory_space<hbm>>, %arg7: memref<79x128xi32, #tpu.memory_space<vmem>>, %arg8: memref<79x128xi32, #tpu.memory_space<vmem>>, %arg9: memref<128x128xf32, #tpu.memory_space<vmem>>, %arg10: memref<10016x128xf32, #tpu.memory_space<vmem_shared>>, %arg11: memref<!tpu.dma_semaphore, #tpu.memory_space<semaphore_mem>>) attributes {dimension_semantics = [#tpu.dimension_semantics<core_parallel>, #tpu.dimension_semantics<subcore_parallel>], iteration_bounds = array<i64: 2, 16>, scalar_prefetch = 0 : i64, scratch_operands = 5 : i64, tpu.core_type = #tpu.core_type<sc_vector_subcore>, window_params = [{transform_indices = #map}, {transform_indices = #map1}, {transform_indices = #map1}, {transform_indices = #map1}, {transform_indices = #map1}]} {
    %mul3A = arith.constant 16 : i32
    %mul3A_0 = arith.muli %arg0, %mul3A : i32
    %add3A = arith.addi %mul3A_0, %arg1 : i32
    "tpu.region"() ({
      %run_scoped3A = tpu.sem_alloc : memref<!tpu.dma_semaphore, #tpu.memory_space<semaphore_mem>>
      %dma_start3A = arith.constant 0 : i32
      %dma_start3A_15 = arith.constant 0 : i32
      %dma_start3A_16 = tpu.memref_slice %arg3[%add3A, %dma_start3A, %dma_start3A_15] : memref<32x79x128xi32, #tpu.memory_space<hbm>> -> memref<1x79x128xi32, #tpu.memory_space<hbm>>
      %dma_start3A_17 = tpu.memref_squeeze %dma_start3A_16 : memref<1x79x128xi32, #tpu.memory_space<hbm>> -> memref<79x128xi32, #tpu.memory_space<hbm>>
      %dma_start3A_18 = arith.constant 0 : i32
      %dma_start3A_19 = arith.constant 0 : i32
      %dma_start3A_20 = tpu.memref_slice %arg3[%add3A, %dma_start3A_18, %dma_start3A_19] : memref<32x79x128xi32, #tpu.memory_space<hbm>> -> memref<1x79x128xi32, #tpu.memory_space<hbm>>
      %dma_start3A_21 = tpu.memref_squeeze %dma_start3A_20 : memref<1x79x128xi32, #tpu.memory_space<hbm>> -> memref<79x128xi32, #tpu.memory_space<hbm>>
      tpu.enqueue_dma source(%dma_start3A_21 : memref<79x128xi32, #tpu.memory_space<hbm>>) target(%arg7 : memref<79x128xi32, #tpu.memory_space<vmem>>) target_semaphore(%run_scoped3A : memref<!tpu.dma_semaphore, #tpu.memory_space<semaphore_mem>>)
      %dma_wait3A = arith.constant 0 : i32
      %dma_wait3A_22 = arith.constant 0 : i32
      %dma_wait3A_23 = tpu.memref_slice %arg3[%add3A, %dma_wait3A, %dma_wait3A_22] : memref<32x79x128xi32, #tpu.memory_space<hbm>> -> memref<1x79x128xi32, #tpu.memory_space<hbm>>
      %dma_wait3A_24 = tpu.memref_squeeze %dma_wait3A_23 : memref<1x79x128xi32, #tpu.memory_space<hbm>> -> memref<79x128xi32, #tpu.memory_space<hbm>>
      %dma_wait3A_25 = arith.constant 0 : i32
      %dma_wait3A_26 = arith.constant 0 : i32
      %dma_wait3A_27 = tpu.memref_slice %arg3[%add3A, %dma_wait3A_25, %dma_wait3A_26] : memref<32x79x128xi32, #tpu.memory_space<hbm>> -> memref<1x79x128xi32, #tpu.memory_space<hbm>>
      %dma_wait3A_28 = tpu.memref_squeeze %dma_wait3A_27 : memref<1x79x128xi32, #tpu.memory_space<hbm>> -> memref<79x128xi32, #tpu.memory_space<hbm>>
      tpu.wait_dma2 semaphore(%run_scoped3A : memref<!tpu.dma_semaphore, #tpu.memory_space<semaphore_mem>>) src(%dma_wait3A_28 : memref<79x128xi32, #tpu.memory_space<hbm>>) dst(%arg7 : memref<79x128xi32, #tpu.memory_space<vmem>>)
      tpu.yield
    }) : () -> ()
    "tpu.region"() ({
      %run_scoped3A = tpu.sem_alloc : memref<!tpu.dma_semaphore, #tpu.memory_space<semaphore_mem>>
      %dma_start3A = arith.constant 0 : i32
      %dma_start3A_15 = arith.constant 0 : i32
      %dma_start3A_16 = tpu.memref_slice %arg4[%add3A, %dma_start3A, %dma_start3A_15] : memref<32x79x128xi32, #tpu.memory_space<hbm>> -> memref<1x79x128xi32, #tpu.memory_space<hbm>>
      %dma_start3A_17 = tpu.memref_squeeze %dma_start3A_16 : memref<1x79x128xi32, #tpu.memory_space<hbm>> -> memref<79x128xi32, #tpu.memory_space<hbm>>
      %dma_start3A_18 = arith.constant 0 : i32
      %dma_start3A_19 = arith.constant 0 : i32
      %dma_start3A_20 = tpu.memref_slice %arg4[%add3A, %dma_start3A_18, %dma_start3A_19] : memref<32x79x128xi32, #tpu.memory_space<hbm>> -> memref<1x79x128xi32, #tpu.memory_space<hbm>>
      %dma_start3A_21 = tpu.memref_squeeze %dma_start3A_20 : memref<1x79x128xi32, #tpu.memory_space<hbm>> -> memref<79x128xi32, #tpu.memory_space<hbm>>
      tpu.enqueue_dma source(%dma_start3A_21 : memref<79x128xi32, #tpu.memory_space<hbm>>) target(%arg8 : memref<79x128xi32, #tpu.memory_space<vmem>>) target_semaphore(%run_scoped3A : memref<!tpu.dma_semaphore, #tpu.memory_space<semaphore_mem>>)
      %dma_wait3A = arith.constant 0 : i32
      %dma_wait3A_22 = arith.constant 0 : i32
      %dma_wait3A_23 = tpu.memref_slice %arg4[%add3A, %dma_wait3A, %dma_wait3A_22] : memref<32x79x128xi32, #tpu.memory_space<hbm>> -> memref<1x79x128xi32, #tpu.memory_space<hbm>>
      %dma_wait3A_24 = tpu.memref_squeeze %dma_wait3A_23 : memref<1x79x128xi32, #tpu.memory_space<hbm>> -> memref<79x128xi32, #tpu.memory_space<hbm>>
      %dma_wait3A_25 = arith.constant 0 : i32
      %dma_wait3A_26 = arith.constant 0 : i32
      %dma_wait3A_27 = tpu.memref_slice %arg4[%add3A, %dma_wait3A_25, %dma_wait3A_26] : memref<32x79x128xi32, #tpu.memory_space<hbm>> -> memref<1x79x128xi32, #tpu.memory_space<hbm>>
      %dma_wait3A_28 = tpu.memref_squeeze %dma_wait3A_27 : memref<1x79x128xi32, #tpu.memory_space<hbm>> -> memref<79x128xi32, #tpu.memory_space<hbm>>
      tpu.wait_dma2 semaphore(%run_scoped3A : memref<!tpu.dma_semaphore, #tpu.memory_space<semaphore_mem>>) src(%dma_wait3A_28 : memref<79x128xi32, #tpu.memory_space<hbm>>) dst(%arg8 : memref<79x128xi32, #tpu.memory_space<vmem>>)
      tpu.yield
    }) : () -> ()
    %mul3A_1 = arith.constant 626 : i32
    %mul3A_2 = arith.muli %arg1, %mul3A_1 : i32
    "tpu.region"() ({
      %run_scoped3A = tpu.sem_alloc : memref<!tpu.dma_semaphore, #tpu.memory_space<semaphore_mem>>
      %dma_start3A = arith.constant 0 : i32
      %dma_start3A_15 = tpu.memref_slice %arg10[%mul3A_2, %dma_start3A] : memref<10016x128xf32, #tpu.memory_space<vmem_shared>> -> memref<626x128xf32, #tpu.memory_space<vmem_shared>>
      %dma_start3A_16 = arith.constant 0 : i32
      %dma_start3A_17 = arith.constant 0 : i32
      %dma_start3A_18 = tpu.memref_slice %arg5[%arg0, %dma_start3A_16, %dma_start3A_17] : memref<2x626x128xf32, #tpu.memory_space<hbm>> -> memref<1x626x128xf32, #tpu.memory_space<hbm>>
      %dma_start3A_19 = tpu.memref_squeeze %dma_start3A_18 : memref<1x626x128xf32, #tpu.memory_space<hbm>> -> memref<626x128xf32, #tpu.memory_space<hbm>>
      tpu.enqueue_dma source(%dma_start3A_19 : memref<626x128xf32, #tpu.memory_space<hbm>>) target(%dma_start3A_15 : memref<626x128xf32, #tpu.memory_space<vmem_shared>>) target_semaphore(%run_scoped3A : memref<!tpu.dma_semaphore, #tpu.memory_space<semaphore_mem>>)
      %dma_wait3A = arith.constant 0 : i32
      %dma_wait3A_20 = tpu.memref_slice %arg10[%mul3A_2, %dma_wait3A] : memref<10016x128xf32, #tpu.memory_space<vmem_shared>> -> memref<626x128xf32, #tpu.memory_space<vmem_shared>>
      %dma_wait3A_21 = arith.constant 0 : i32
      %dma_wait3A_22 = arith.constant 0 : i32
      %dma_wait3A_23 = tpu.memref_slice %arg5[%arg0, %dma_wait3A_21, %dma_wait3A_22] : memref<2x626x128xf32, #tpu.memory_space<hbm>> -> memref<1x626x128xf32, #tpu.memory_space<hbm>>
      %dma_wait3A_24 = tpu.memref_squeeze %dma_wait3A_23 : memref<1x626x128xf32, #tpu.memory_space<hbm>> -> memref<626x128xf32, #tpu.memory_space<hbm>>
      tpu.wait_dma2 semaphore(%run_scoped3A : memref<!tpu.dma_semaphore, #tpu.memory_space<semaphore_mem>>) src(%dma_wait3A_24 : memref<626x128xf32, #tpu.memory_space<hbm>>) dst(%dma_wait3A_20 : memref<626x128xf32, #tpu.memory_space<vmem_shared>>)
      tpu.yield
    }) : () -> ()
    %barrier3A = arith.constant 0 : index
    tpu.barrier barrier_id(%barrier3A)
    %scan3A = arith.constant 0 : i32
    %scan3A_3 = arith.constant 0 : i32
    %scan3A_4 = arith.constant 79 : i32
    %scan3A_5 = arith.addi %scan3A_3, %scan3A_4 : i32
    %scan3A_6 = arith.constant 1 : i32
    scf.for %scan3A_15 = %scan3A_3 to %scan3A_5 step %scan3A_6  : i32 {
      %dma_start3A = arith.constant 0 : i32
      %dma_start3A_16 = tpu.memref_slice %arg7[%scan3A_15, %dma_start3A] : memref<79x128xi32, #tpu.memory_space<vmem>> -> memref<1x128xi32, #tpu.memory_space<vmem>>
      %dma_start3A_17 = tpu.memref_squeeze %dma_start3A_16 : memref<1x128xi32, #tpu.memory_space<vmem>> -> memref<128xi32, #tpu.memory_space<vmem>>
      %dma_start3A_18 = arith.constant 0 : i32
      %dma_start3A_19 = arith.constant 0 : i32
      %dma_start3A_20 = tpu.memref_slice %arg2[%dma_start3A_18, %dma_start3A_19] : memref<10000x128xf32, #tpu.memory_space<hbm>> -> memref<10000x128xf32, #tpu.memory_space<hbm>>
      tpu.enqueue_indirect_dma source(%dma_start3A_20 : memref<10000x128xf32, #tpu.memory_space<hbm>>) target(%arg9 : memref<128x128xf32, #tpu.memory_space<vmem>>) offsets(%dma_start3A_17 : memref<128xi32, #tpu.memory_space<vmem>>) semaphore(%arg11 : memref<!tpu.dma_semaphore, #tpu.memory_space<semaphore_mem>>)
      %dma_wait3A = arith.constant 0 : i32
      %dma_wait3A_21 = tpu.memref_slice %arg7[%scan3A_15, %dma_wait3A] : memref<79x128xi32, #tpu.memory_space<vmem>> -> memref<1x128xi32, #tpu.memory_space<vmem>>
      %dma_wait3A_22 = tpu.memref_squeeze %dma_wait3A_21 : memref<1x128xi32, #tpu.memory_space<vmem>> -> memref<128xi32, #tpu.memory_space<vmem>>
      %dma_wait3A_23 = arith.constant 0 : i32
      %dma_wait3A_24 = arith.constant 0 : i32
      %dma_wait3A_25 = tpu.memref_slice %arg2[%dma_wait3A_23, %dma_wait3A_24] : memref<10000x128xf32, #tpu.memory_space<hbm>> -> memref<10000x128xf32, #tpu.memory_space<hbm>>
      tpu.wait_indirect_dma semaphore(%arg11 : memref<!tpu.dma_semaphore, #tpu.memory_space<semaphore_mem>>) src(%dma_wait3A_25 : memref<10000x128xf32, #tpu.memory_space<hbm>>) dst(%arg9 : memref<128x128xf32, #tpu.memory_space<vmem>>)
      "tpu.region"() ({
        %run_scoped3A = tpu.sem_alloc : memref<!tpu.dma_semaphore, #tpu.memory_space<semaphore_mem>>
        %dma_start3A_26 = arith.constant 0 : i32
        %dma_start3A_27 = tpu.memref_slice %arg8[%scan3A_15, %dma_start3A_26] : memref<79x128xi32, #tpu.memory_space<vmem>> -> memref<1x128xi32, #tpu.memory_space<vmem>>
        %dma_start3A_28 = tpu.memref_squeeze %dma_start3A_27 : memref<1x128xi32, #tpu.memory_space<vmem>> -> memref<128xi32, #tpu.memory_space<vmem>>
        %dma_start3A_29 = arith.constant 0 : i32
        %dma_start3A_30 = arith.constant 0 : i32
        %dma_start3A_31 = tpu.memref_slice %arg10[%dma_start3A_29, %dma_start3A_30] : memref<10016x128xf32, #tpu.memory_space<vmem_shared>> -> memref<10016x128xf32, #tpu.memory_space<vmem_shared>>
        tpu.enqueue_indirect_dma source(%arg9 : memref<128x128xf32, #tpu.memory_space<vmem>>) target(%dma_start3A_31 : memref<10016x128xf32, #tpu.memory_space<vmem_shared>>) offsets(%dma_start3A_28 : memref<128xi32, #tpu.memory_space<vmem>>) semaphore(%run_scoped3A : memref<!tpu.dma_semaphore, #tpu.memory_space<semaphore_mem>>) {add = true}
        %dma_wait3A_32 = arith.constant 0 : i32
        %dma_wait3A_33 = tpu.memref_slice %arg8[%scan3A_15, %dma_wait3A_32] : memref<79x128xi32, #tpu.memory_space<vmem>> -> memref<1x128xi32, #tpu.memory_space<vmem>>
        %dma_wait3A_34 = tpu.memref_squeeze %dma_wait3A_33 : memref<1x128xi32, #tpu.memory_space<vmem>> -> memref<128xi32, #tpu.memory_space<vmem>>
        %dma_wait3A_35 = arith.constant 0 : i32
        %dma_wait3A_36 = arith.constant 0 : i32
        %dma_wait3A_37 = tpu.memref_slice %arg10[%dma_wait3A_35, %dma_wait3A_36] : memref<10016x128xf32, #tpu.memory_space<vmem_shared>> -> memref<10016x128xf32, #tpu.memory_space<vmem_shared>>
        tpu.wait_indirect_dma semaphore(%run_scoped3A : memref<!tpu.dma_semaphore, #tpu.memory_space<semaphore_mem>>) src(%arg9 : memref<128x128xf32, #tpu.memory_space<vmem>>) dst(%dma_wait3A_37 : memref<10016x128xf32, #tpu.memory_space<vmem_shared>>)
        tpu.yield
      }) : () -> ()
    }
    %scan3A_7 = arith.constant 79 : i32
    %barrier3A_8 = arith.constant 0 : index
    tpu.barrier barrier_id(%barrier3A_8)
    %mul3A_9 = arith.constant 624 : i32
    %mul3A_10 = arith.muli %arg1, %mul3A_9 : i32
    %mul3A_11 = arith.constant 624 : i32
    %mul3A_12 = arith.muli %arg1, %mul3A_11 : i32
    "tpu.region"() ({
      %run_scoped3A = tpu.sem_alloc : memref<!tpu.dma_semaphore, #tpu.memory_space<semaphore_mem>>
      %dma_start3A = arith.constant 0 : i32
      %dma_start3A_15 = tpu.memref_slice %arg6[%arg0, %mul3A_12, %dma_start3A] : memref<2x10000x128xf32, #tpu.memory_space<hbm>> -> memref<1x624x128xf32, #tpu.memory_space<hbm>>
      %dma_start3A_16 = tpu.memref_squeeze %dma_start3A_15 : memref<1x624x128xf32, #tpu.memory_space<hbm>> -> memref<624x128xf32, #tpu.memory_space<hbm>>
      %dma_start3A_17 = arith.constant 0 : i32
      %dma_start3A_18 = tpu.memref_slice %arg10[%mul3A_10, %dma_start3A_17] : memref<10016x128xf32, #tpu.memory_space<vmem_shared>> -> memref<624x128xf32, #tpu.memory_space<vmem_shared>>
      tpu.enqueue_dma source(%dma_start3A_18 : memref<624x128xf32, #tpu.memory_space<vmem_shared>>) target(%dma_start3A_16 : memref<624x128xf32, #tpu.memory_space<hbm>>) target_semaphore(%run_scoped3A : memref<!tpu.dma_semaphore, #tpu.memory_space<semaphore_mem>>)
      %dma_wait3A = arith.constant 0 : i32
      %dma_wait3A_19 = tpu.memref_slice %arg6[%arg0, %mul3A_12, %dma_wait3A] : memref<2x10000x128xf32, #tpu.memory_space<hbm>> -> memref<1x624x128xf32, #tpu.memory_space<hbm>>
      %dma_wait3A_20 = tpu.memref_squeeze %dma_wait3A_19 : memref<1x624x128xf32, #tpu.memory_space<hbm>> -> memref<624x128xf32, #tpu.memory_space<hbm>>
      %dma_wait3A_21 = arith.constant 0 : i32
      %dma_wait3A_22 = tpu.memref_slice %arg10[%mul3A_10, %dma_wait3A_21] : memref<10016x128xf32, #tpu.memory_space<vmem_shared>> -> memref<624x128xf32, #tpu.memory_space<vmem_shared>>
      tpu.wait_dma2 semaphore(%run_scoped3A : memref<!tpu.dma_semaphore, #tpu.memory_space<semaphore_mem>>) src(%dma_wait3A_22 : memref<624x128xf32, #tpu.memory_space<vmem_shared>>) dst(%dma_wait3A_20 : memref<624x128xf32, #tpu.memory_space<hbm>>)
      tpu.yield
    }) : () -> ()
    %eq3A = arith.constant 15 : i32
    %eq3A_13 = arith.cmpi eq, %arg1, %eq3A : i32
    %convert_element_type3A = arith.extui %eq3A_13 : i1 to i32
    %cond3A = arith.constant 0 : i32
    %cond3A_14 = arith.cmpi ne, %convert_element_type3A, %cond3A : i32
    scf.if %cond3A_14 {
      "tpu.region"() ({
        %run_scoped3A = tpu.sem_alloc : memref<!tpu.dma_semaphore, #tpu.memory_space<semaphore_mem>>
        %dma_start3A = arith.constant 9984 : i32
        %dma_start3A_15 = arith.constant 0 : i32
        %dma_start3A_16 = tpu.memref_slice %arg6[%arg0, %dma_start3A, %dma_start3A_15] : memref<2x10000x128xf32, #tpu.memory_space<hbm>> -> memref<1x16x128xf32, #tpu.memory_space<hbm>>
        %dma_start3A_17 = tpu.memref_squeeze %dma_start3A_16 : memref<1x16x128xf32, #tpu.memory_space<hbm>> -> memref<16x128xf32, #tpu.memory_space<hbm>>
        %dma_start3A_18 = arith.constant 9984 : i32
        %dma_start3A_19 = arith.constant 0 : i32
        %dma_start3A_20 = tpu.memref_slice %arg10[%dma_start3A_18, %dma_start3A_19] : memref<10016x128xf32, #tpu.memory_space<vmem_shared>> -> memref<16x128xf32, #tpu.memory_space<vmem_shared>>
        tpu.enqueue_dma source(%dma_start3A_20 : memref<16x128xf32, #tpu.memory_space<vmem_shared>>) target(%dma_start3A_17 : memref<16x128xf32, #tpu.memory_space<hbm>>) target_semaphore(%run_scoped3A : memref<!tpu.dma_semaphore, #tpu.memory_space<semaphore_mem>>)
        %dma_wait3A = arith.constant 9984 : i32
        %dma_wait3A_21 = arith.constant 0 : i32
        %dma_wait3A_22 = tpu.memref_slice %arg6[%arg0, %dma_wait3A, %dma_wait3A_21] : memref<2x10000x128xf32, #tpu.memory_space<hbm>> -> memref<1x16x128xf32, #tpu.memory_space<hbm>>
        %dma_wait3A_23 = tpu.memref_squeeze %dma_wait3A_22 : memref<1x16x128xf32, #tpu.memory_space<hbm>> -> memref<16x128xf32, #tpu.memory_space<hbm>>
        %dma_wait3A_24 = arith.constant 9984 : i32
        %dma_wait3A_25 = arith.constant 0 : i32
        %dma_wait3A_26 = tpu.memref_slice %arg10[%dma_wait3A_24, %dma_wait3A_25] : memref<10016x128xf32, #tpu.memory_space<vmem_shared>> -> memref<16x128xf32, #tpu.memory_space<vmem_shared>>
        tpu.wait_dma2 semaphore(%run_scoped3A : memref<!tpu.dma_semaphore, #tpu.memory_space<semaphore_mem>>) src(%dma_wait3A_26 : memref<16x128xf32, #tpu.memory_space<vmem_shared>>) dst(%dma_wait3A_23 : memref<16x128xf32, #tpu.memory_space<hbm>>)
        tpu.yield
      }) : () -> ()
    } else {
    }
    return
  }
}

module attributes {stable_mosaic.version = 14 : i64} {
  func.func @body(%arg0: i32, %arg1: memref<2000x128xf32, #tpu.memory_space<vmem>>, %arg2: memref<128x128xf32, #tpu.memory_space<vmem>>, %arg3: memref<2000x128xf32, #tpu.memory_space<vmem>>) attributes {dimension_semantics = [#tpu.dimension_semantics<arbitrary>], iteration_bounds = array<i64: 5>, scalar_prefetch = 0 : i64, scratch_operands = 0 : i64, tpu.core_type = #tpu.core_type<tc>, window_params = [{transform_indices = @transform_0, window_bounds = array<i64: 2000, 128>}, {pipeline_mode = #tpu.pipeline_mode<synchronous>, transform_indices = @transform_1, window_bounds = array<i64: 128, 128>}, {transform_indices = @transform_2, window_bounds = array<i64: 2000, 128>}]} {
    %get3A = arith.constant 0 : index
    %get3A_0 = arith.constant 0 : index
    %get3A_1 = vector.load %arg1[%get3A, %get3A_0] : memref<2000x128xf32, #tpu.memory_space<vmem>>, vector<2000x128xf32>
    %get3A_2 = arith.constant 0 : index
    %get3A_3 = arith.constant 0 : index
    %get3A_4 = vector.load %arg2[%get3A_2, %get3A_3] : memref<128x128xf32, #tpu.memory_space<vmem>>, vector<128x128xf32>
    %dot_general3A = arith.constant dense<0.000000e+00> : vector<2000x128xf32>
    %dot_general3A_5 = tpu.matmul %get3A_1, %get3A_4, %dot_general3A {dimension_numbers = #tpu.dot_dimension_numbers<[1], [0], [0], [1], [0, 0, 1, 1], [], []>, transpose_lhs_hint = false} : vector<2000x128xf32>, vector<128x128xf32>, vector<2000x128xf32> -> vector<2000x128xf32>
    %swap3A = arith.constant 0 : index
    %swap3A_6 = arith.constant 0 : index
    %swap3A_7 = vector.load %arg3[%swap3A, %swap3A_6] : memref<2000x128xf32, #tpu.memory_space<vmem>>, vector<2000x128xf32>
    tpu.vector_store %arg3[%swap3A, %swap3A_6], %dot_general3A_5 {strides = array<i32>} : memref<2000x128xf32, #tpu.memory_space<vmem>>, vector<2000x128xf32>,
    return
  }
  func.func @transform_0(%arg0: i32) -> (i32, i32) {
    %c0_i32 = arith.constant 0 : i32
    %c0_i32_0 = arith.constant 0 : i32
    return %arg0, %c0_i32 : i32, i32
  }
  func.func @transform_1(%arg0: i32) -> (i32, i32) {
    %c0_i32 = arith.constant 0 : i32
    %c0_i32_0 = arith.constant 0 : i32
    %c0_i32_1 = arith.constant 0 : i32
    return %c0_i32, %c0_i32_0 : i32, i32
  }
  func.func @transform_2(%arg0: i32) -> (i32, i32) {
    %c0_i32 = arith.constant 0 : i32
    %c0_i32_0 = arith.constant 0 : i32
    return %arg0, %c0_i32 : i32, i32
  }
}

module attributes {stable_mosaic.version = 14 : i64} {
  func.func @body(%arg0: i32, %arg1: memref<2x2000x128xf32, #tpu.memory_space<vmem>>, %arg2: memref<128x128xf32, #tpu.memory_space<vmem>>, %arg3: memref<2000x128xf32, #tpu.memory_space<vmem>>) attributes {dimension_semantics = [#tpu.dimension_semantics<arbitrary>], iteration_bounds = array<i64: 5>, scalar_prefetch = 0 : i64, scratch_operands = 0 : i64, tpu.core_type = #tpu.core_type<tc>, window_params = [{transform_indices = @transform_0, window_bounds = array<i64: 2, 2000, 128>}, {pipeline_mode = #tpu.pipeline_mode<synchronous>, transform_indices = @transform_1, window_bounds = array<i64: 128, 128>}, {transform_indices = @transform_2, window_bounds = array<i64: 2000, 128>}]} {
    %get3A = arith.constant 0 : index
    %get3A_0 = arith.constant 0 : index
    %get3A_1 = arith.constant 0 : index
    %get3A_2 = vector.load %arg1[%get3A, %get3A_0, %get3A_1] : memref<2x2000x128xf32, #tpu.memory_space<vmem>>, vector<1x2000x128xf32>
    %get3A_3 = vector.shape_cast %get3A_2 : vector<1x2000x128xf32> to vector<2000x128xf32>
    %get3A_4 = arith.constant 1 : index
    %get3A_5 = arith.constant 0 : index
    %get3A_6 = arith.constant 0 : index
    %get3A_7 = vector.load %arg1[%get3A_4, %get3A_5, %get3A_6] : memref<2x2000x128xf32, #tpu.memory_space<vmem>>, vector<1x2000x128xf32>
    %get3A_8 = vector.shape_cast %get3A_7 : vector<1x2000x128xf32> to vector<2000x128xf32>
    %add3A = arith.addf %get3A_3, %get3A_8 : vector<2000x128xf32>
    %max3A = arith.constant 0.000000e+00 : f32
    %max3A_9 = vector.broadcast %max3A : f32 to vector<2000x128xf32>
    %max3A_10 = arith.maximumf %add3A, %max3A_9 : vector<2000x128xf32>
    %get3A_11 = arith.constant 0 : index
    %get3A_12 = arith.constant 0 : index
    %get3A_13 = vector.load %arg2[%get3A_11, %get3A_12] : memref<128x128xf32, #tpu.memory_space<vmem>>, vector<128x128xf32>
    %dot_general3A = arith.constant dense<0.000000e+00> : vector<2000x128xf32>
    %dot_general3A_14 = tpu.matmul %max3A_10, %get3A_13, %dot_general3A {dimension_numbers = #tpu.dot_dimension_numbers<[1], [0], [0], [1], [0, 0, 1, 1], [], []>, transpose_lhs_hint = false} : vector<2000x128xf32>, vector<128x128xf32>, vector<2000x128xf32> -> vector<2000x128xf32>
    %swap3A = arith.constant 0 : index
    %swap3A_15 = arith.constant 0 : index
    %swap3A_16 = vector.load %arg3[%swap3A, %swap3A_15] : memref<2000x128xf32, #tpu.memory_space<vmem>>, vector<2000x128xf32>
    tpu.vector_store %arg3[%swap3A, %swap3A_15], %dot_general3A_14 {strides = array<i32>} : memref<2000x128xf32, #tpu.memory_space<vmem>>, vector<2000x128xf32>,
    return
  }
  func.func @transform_0(%arg0: i32) -> (i32, i32, i32) {
    %c0_i32 = arith.constant 0 : i32
    %c0_i32_0 = arith.constant 0 : i32
    %c0_i32_1 = arith.constant 0 : i32
    return %c0_i32, %arg0, %c0_i32_0 : i32, i32, i32
  }
  func.func @transform_1(%arg0: i32) -> (i32, i32) {
    %c0_i32 = arith.constant 0 : i32
    %c0_i32_0 = arith.constant 0 : i32
    %c0_i32_1 = arith.constant 0 : i32
    return %c0_i32, %c0_i32_0 : i32, i32
  }
  func.func @transform_2(%arg0: i32) -> (i32, i32) {
    %c0_i32 = arith.constant 0 : i32
    %c0_i32_0 = arith.constant 0 : i32
    return %arg0, %c0_i32 : i32, i32
  }
}

module attributes {stable_mosaic.version = 14 : i64} {
  func.func @body(%arg0: i32, %arg1: memref<2x2000x128xf32, #tpu.memory_space<vmem>>, %arg2: memref<2000x128xf32, #tpu.memory_space<vmem>>) attributes {dimension_semantics = [#tpu.dimension_semantics<arbitrary>], iteration_bounds = array<i64: 5>, scalar_prefetch = 0 : i64, scratch_operands = 0 : i64, tpu.core_type = #tpu.core_type<tc>, window_params = [{transform_indices = @transform_0, window_bounds = array<i64: 2, 2000, 128>}, {transform_indices = @transform_1, window_bounds = array<i64: 2000, 128>}]} {
    %get3A = arith.constant 0 : index
    %get3A_0 = arith.constant 0 : index
    %get3A_1 = arith.constant 0 : index
    %get3A_2 = vector.load %arg1[%get3A, %get3A_0, %get3A_1] : memref<2x2000x128xf32, #tpu.memory_space<vmem>>, vector<1x2000x128xf32>
    %get3A_3 = vector.shape_cast %get3A_2 : vector<1x2000x128xf32> to vector<2000x128xf32>
    %get3A_4 = arith.constant 1 : index
    %get3A_5 = arith.constant 0 : index
    %get3A_6 = arith.constant 0 : index
    %get3A_7 = vector.load %arg1[%get3A_4, %get3A_5, %get3A_6] : memref<2x2000x128xf32, #tpu.memory_space<vmem>>, vector<1x2000x128xf32>
    %get3A_8 = vector.shape_cast %get3A_7 : vector<1x2000x128xf32> to vector<2000x128xf32>
    %add3A = arith.addf %get3A_3, %get3A_8 : vector<2000x128xf32>
    %swap3A = arith.constant 0 : index
    %swap3A_9 = arith.constant 0 : index
    %swap3A_10 = vector.load %arg2[%swap3A, %swap3A_9] : memref<2000x128xf32, #tpu.memory_space<vmem>>, vector<2000x128xf32>
    tpu.vector_store %arg2[%swap3A, %swap3A_9], %add3A {strides = array<i32>} : memref<2000x128xf32, #tpu.memory_space<vmem>>, vector<2000x128xf32>,
    return
  }
  func.func @transform_0(%arg0: i32) -> (i32, i32, i32) {
    %c0_i32 = arith.constant 0 : i32
    %c0_i32_0 = arith.constant 0 : i32
    %c0_i32_1 = arith.constant 0 : i32
    return %c0_i32, %arg0, %c0_i32_0 : i32, i32, i32
  }
  func.func @transform_1(%arg0: i32) -> (i32, i32) {
    %c0_i32 = arith.constant 0 : i32
    %c0_i32_0 = arith.constant 0 : i32
    return %arg0, %c0_i32 : i32, i32
  }
}

</mosaic_0001>

<sc_bundles>
// kernel: kernel.10.cloned.1.call-start
scs
__scs_entry_jumppad:
0x0: {  	(pc) =	sbr.rel $0x88, $3  }
0x1: {  	(tag) =	ssettag $0x0;
	lr =	simm.s32 $0x1  }
0x2: {  	[smem:$0x3F9B] =	sst lr;
	_ =	strace $0xD0000000  }
0x3: {  	_ = 	snop  }
0x4: {  	_ = 	snop  }
0x5: {  	_ = 	snop  }
0x6: {  	_ = 	snop  }
0x7: {  	_ = 	snop  }
__scs_overlays_trampoline_lowered:
0x8: {  	[smem:$0x3FAA] =	sst s0  }
0x9: {  	[smem:$0x3FAB] =	sst s1  }
0xa: {  	[smem:$0x3FAC] =	sst s2  }
0xb: {  	[smem:$0x3FAD] =	sst s3  }
0xc: {  	[smem:$0x3FAE] =	sst s4  }
0xd: {  	[smem:$0x3FAF] =	sst s5  }
0xe: {  	[smem:$0x3FB0] =	sst s6  }
0xf: {  	[smem:$0x3FB1] =	sst s7  }
0x10: {  	[smem:$0x3FB2] =	sst s8  }
0x11: {  	[smem:$0x3FB3] =	sst s9;
	s0 =	simm.s32 @!p0 $0x0  }
0x12: {  	s1 =	sld [smem:$0x3F99];
	s0 =	simm.s32 @p0 $0x1  }
0x13: {  	[smem:$0x3FB4] =	sst s0;
	s0 =	simm.s32 @!p1 $0x0  }
0x14: {  	s2 =	sld [smem:$0x3F98];
	s0 =	simm.s32 @p1 $0x1  }
0x15: {  	[smem:$0x3FB5] =	sst s0;
	s0 =	simm.s32 @!p2 $0x0  }
0x16: {  	s3 =	sld [smem:$0x3FDB];
	s0 =	simm.s32 @p2 $0x1  }
0x17: {  	s4 =	simm.s32 $0x1BF5;
	[smem:$0x3FB7] =	sst s0  }
0x18: {  	s0 =	sld [smem:$0x3F9A];
	_ =	swait.ge [sflag:s4], $0x0  }
0x19: {  	s7 =	sld [smem:$0x3F9B]  }
0x1a: {  	s8 =	sadd.s32 $0xFFFFE003, lr  }
0x1b: {  	s9 =	sadd.s32 $0xFFFFFEF7, lr;
	s5 =	simm.s32 $0xFFFFFFFF;
	p2 =	slt.u32 s8, $0xFFFFF086  }
0x1c: {  	p1 =	slt.u32 s9, $0xF7A;
	s5 =	simm.s32 @!p2 $0x0  }
0x1d: {  	s5 =	simm.s32 @p1 $0x1;
	p0 =	seq.s32 s7, s2  }
0x1e: {  	s7 =	smul.u32 @!p0 $0xF7A, s2;
	p2 =	seq.s32 @!p0 s5, $0x0  }
0x1f: {  	s9 =	smul.u32 $0xF7A, s1;
	s8 =	simm.s32 @!p0 $0x1BF5;
	p2 =	por !p2, p0  }
0x20: {  	[sflag:s8] =	ssyncset.s32 @!p0 $0xFFFFF086;
	s6 =	sadd.s32 @!p0 s3, s7;
	s7 =	simm.s32 @!p0 $0x108  }
0x21: {  	s3 =	sadd.s32 s3, s9;
	s6 =	sadd.s32 @!p0 $0x88, s6;
	s7 =	simm.s32 @p2 $0x1082  }
0x22: {  	[simem:s7], [sflag:s8] =	dma.local @!p0 [hbm:s6], $0xF7A  }
0x23: {  	s9 =	sor.u32 $0xD0000000, s2;
	s6 =	simm.s32 $0x108;
	_ =	swait.ge @!p0 [sflag:s8], $0x0  }
0x24: {  	s3 =	sadd.s32 $0x88, s3;
	s6 =	simm.s32 @!p1 $0x1082;
	[sflag:s4] =	ssyncset.s32 $0xFFFFF086  }
0x25: {  	[simem:s6], [sflag:s4] =	dma.local [hbm:s3], $0xF7A  }
0x26: {  	[smem:$0x3F9B] =	sst s1;
	(tag) =	ssettag s2;
	_ =	strace s9  }
0x27: {  	s1 =	sld [smem:$0x3FAB]  }
0x28: {  	s2 =	sld [smem:$0x3FAC]  }
0x29: {  	s4 =	sld [smem:$0x3FAE]  }
0x2a: {  	p0 =	seq.s32 s5, $0x0;
	s5 =	sld [smem:$0x3FAF]  }
0x2b: {  	s6 =	sld [smem:$0x3FB0]  }
0x2c: {  	s7 =	sld [smem:$0x3FB1]  }
0x2d: {  	s3 =	simm.s32 $0x108;
	s8 =	sld [smem:$0x3FB2]  }
0x2e: {  	s3 =	simm.s32 @!p0 $0x1082;
	s9 =	sld [smem:$0x3FB3]  }
0x2f: {  	lr =	sadd.s32 s0, s3;
	s0 =	sld [smem:$0x3FAA]  }
0x30: {  	s3 =	sld [smem:$0x3FAD]  }
0x31: {  	[smem:$0x3FB6] =	sst s10  }
0x32: {  	s10 =	sld [smem:$0x3FB4];
	_ =	sdelay $0x3  }
0x33: {  	p0 =	seq.s32 s10, $0x1;
	s10 =	sld [smem:$0x3FB6];
	_ =	sdelay $0x3  }
0x34: {  	[smem:$0x3FB6] =	sst s10  }
0x35: {  	s10 =	sld [smem:$0x3FB5];
	_ =	sdelay $0x3  }
0x36: {  	p1 =	seq.s32 s10, $0x1;
	s10 =	sld [smem:$0x3FB6];
	_ =	sdelay $0x3  }
0x37: {  	[smem:$0x3FB6] =	sst s10  }
0x38: {  	s10 =	sld [smem:$0x3FB7]  }
0x39: {  	_ = 	snop;
	(pc) =	sbr.ind lr, $3  }
0x3a: {  	_ = 	snop  }
0x3b: {  	_ = 	snop  }
0x3c: {  	p2 =	seq.s32 s10, $0x1;
	s10 =	sld [smem:$0x3FB6]  }
0x3d: {  	_ =	shalt  }
0x3e: {  	_ =	shalt  }
0x3f: {  	_ =	shalt  }
0x40: {  	_ =	shalt  }
0x41: {  	_ =	shalt  }
0x42: {  	_ =	shalt  }
0x43: {  	_ =	shalt  }
0x44: {  	_ =	shalt  }
0x45: {  	_ =	shalt  }
0x46: {  	_ =	shalt  }
0x47: {  	_ =	shalt  }
0x48: {  	_ =	shalt  }
0x49: {  	_ =	shalt  }
0x4a: {  	_ =	shalt  }
0x4b: {  	_ =	shalt  }
0x4c: {  	_ =	shalt  }
0x4d: {  	_ =	shalt  }
0x4e: {  	_ =	shalt  }
0x4f: {  	_ =	shalt  }
0x50: {  	_ =	shalt  }
0x51: {  	_ =	shalt  }
0x52: {  	_ =	shalt  }
0x53: {  	_ =	shalt  }
0x54: {  	_ =	shalt  }
0x55: {  	_ =	shalt  }
0x56: {  	_ =	shalt  }
0x57: {  	_ =	shalt  }
0x58: {  	_ =	shalt  }
0x59: {  	_ =	shalt  }
0x5a: {  	_ =	shalt  }
0x5b: {  	_ =	shalt  }
0x5c: {  	_ =	shalt  }
0x5d: {  	_ =	shalt  }
0x5e: {  	_ =	shalt  }
0x5f: {  	_ =	shalt  }
0x60: {  	_ =	shalt  }
0x61: {  	_ =	shalt  }
0x62: {  	_ =	shalt  }
0x63: {  	_ =	shalt  }
0x64: {  	_ =	shalt  }
0x65: {  	_ =	shalt  }
0x66: {  	_ =	shalt  }
0x67: {  	_ =	shalt  }
0x68: {  	_ =	shalt  }
0x69: {  	_ =	shalt  }
0x6a: {  	_ =	shalt  }
0x6b: {  	_ =	shalt  }
0x6c: {  	_ =	shalt  }
0x6d: {  	_ =	shalt  }
0x6e: {  	_ =	shalt  }
0x6f: {  	_ =	shalt  }
0x70: {  	_ =	shalt  }
0x71: {  	_ =	shalt  }
0x72: {  	_ =	shalt  }
0x73: {  	_ =	shalt  }
0x74: {  	_ =	shalt  }
0x75: {  	_ =	shalt  }
0x76: {  	_ =	shalt  }
0x77: {  	_ =	shalt  }
0x78: {  	_ =	shalt  }
0x79: {  	_ =	shalt  }
0x7a: {  	_ =	shalt  }
0x7b: {  	_ =	shalt  }
0x7c: {  	_ =	shalt  }
0x7d: {  	_ =	shalt  }
0x7e: {  	_ =	shalt  }
0x7f: {  	_ =	shalt  }
0x80: {  	_ =	shalt  }
0x81: {  	_ =	shalt  }
0x82: {  	_ =	shalt  }
0x83: {  	_ =	shalt  }
0x84: {  	_ =	shalt  }
0x85: {  	_ =	shalt  }
0x86: {  	_ =	shalt  }
0x87: {  	_ =	shalt  }
.Lfunc_end0:
.L_simem_size_0:
called_computation.1_lowered:
.L_overlay_start_0:
0x88: {  	s2 =	sld [smem:$0x3FD9]  }
0x89: {  	s3 =	sld [smem:$0x3FFE];
	_ =	sdelay $0x1  }
0x8a: {  	s1 =	srdreg.scid  }
0x8b: {  	s0 =	sand.u32 $0x1, s1  }
0x8c: {  	s17 =	sshll.u32 s0, $0xA;
	s2 =	sadd.s32 s3, s2  }
0x8d: {  	s2 =	sadd.s32 s2, s17  }
0x8e: {  	[smem:$0x3FC2] =	sst s2  }
0x8f: {  	_ = 	snop  }
0x90: {  	s2 =	sld [smem:$0x3FD0];
	(tm) =	ssettm $0x1  }
0x91: {  	s18 =	sld [smem:$0x3FFB];
	_ =	sdelay $0x3  }
0x92: {  	_ =	strace s18  }
0x93: {  	s3 =	sld [smem:$0x3FFC];
	_ =	sdelay $0x3  }
0x94: {  	_ =	strace s3  }
0x95: {  	s3 =	sld [smem:$0x3FFD];
	_ =	sdelay $0x3  }
0x96: {  	_ =	strace s3  }
0x97: {  	_ =	strace $0x8FFFFFFF  }
0x98: {  	s19 =	sld [smem:$0x3FDB];
	_ =	sdelay $0x1  }
0x99: {  	s4 =	simm.s32 $_scs_section_size  }
0x9a: {  	s5 =	simm.s32 $_size__tile_overlayer_lowered;
	s6 =	simm.s32 $_tile_overlayer_lowered  }
0x9b: {  	s22 =	simm.s32 $0x1BFF;
	s21 =	sshll.u32 s6, $0x1;
	s3 =	sadd.s32 s4, s19  }
0x9c: {  	s7 =	simm.s32 $0x0;
	s20 =	sshll.u32 s5, $0x1;
	s5 =	sadd.s32 s21, s3  }
0x9d: {  	[timem:s7], [sflag:s22] =	dma.local [hbm:s5], s20  }
0x9e: {  	_ =	swait.ge [sflag:s22], s20  }
0x9f: {  	s4 =	ssub.s32 $0x0, s20;
	[sflag:s22] =	ssyncset.done $0x0  }
0xa0: {  	[sflag:s22] =	ssyncadd.s32 s4;
	_ =	sdelay $0x1  }
0xa1: {  	s23 =	simm.s32 $0x1B8B  }
0xa2: {  	_ =	swait.ge [sflag:s23], $0x1  }
0xa3: {  	[sflag:s23] =	ssyncset.done $0x0  }
0xa4: {  	s25 =	simm.s32 $0x1B8E;
	s24 =	sld [smem:$0x3FFE];
	[sflag:s23] =	ssyncadd.s32 $0xFFFFFFFF  }
0xa5: {  	s26 =	simm.s32 $execute0_lowered;
	[smem:$0x3FD2] =	sst s25  }
0xa6: {  	s5 =	sshll.u32 s26, $0x1;
	_ =	strace $0x80000049;
	[dreg:$0x1] =	wrdreg $0xFFFFFFFF  }
0xa7: {  	s28 =	simm.s32 $_size_execute0_lowered;
	s3 =	sadd.s32 s3, s5;
	[dreg:$0x0] =	wrdreg $0x0  }
0xa8: {  	s5 =	sshll.u32 s28, $0x1;
	[dreg:$0x2] =	wrdreg s3  }
0xa9: {  	[dreg:$0x3] =	wrdreg s5  }
0xaa: {  	[dreg:$0x4] =	wrdreg $0xC0  }
0xab: {  	_ =	task [dreg:s7], $0x5FFFF  }
0xac: {  	[dreg:$0x1] =	wrdreg $0xFFFFFFFF  }
0xad: {  	[dreg:$0x0] =	wrdreg $0x60  }
0xae: {  	[dreg:$0x2] =	wrdreg s2  }
0xaf: {  	[dreg:$0x3] =	wrdreg s24  }
0xb0: {  	[dreg:$0x4] =	wrdreg $0x90000  }
0xb1: {  	[dreg:$0x5] =	wrdreg $0x9  }
0xb2: {  	_ =	task.clear_ibuf [dreg:s7], $0x6FFFF;
	_ =	strace $0x90000049  }
0xb3: {  	s29 =	simm.s32 $0x9;
	_ =	strace $0x8000004B  }
0xb4: {  	_ =	swait.ge [sflag:s29], $0x1  }
0xb5: {  	[sflag:s29] =	ssyncadd.s32 $0xFFFFFFFF  }
0xb6: {  	_ =	strace $0x9000004B  }
0xb7: {  	_ =	sfence  }
0xb8: {  	s30 =	sld [smem:$0x0];
	_ =	sdelay $0x2  }
0xb9: {  	s31 =	sshll.u32 s1, $0xD;
	s1 =	sshrl.u32 s1, $0x2  }
0xba: {  	s3 =	sand.u32 $0x4000, s31;
	s1 =	sadd.s32 s1, s30  }
0xbb: {  	s0 =	sor.u32 s3, s0;
	s1 =	sshll.u32 s1, $0x11  }
0xbc: {  	s0 =	sor.u32 s1, s0  }
0xbd: {  	s0 =	sadd.s32 $0x8F2B, s0  }
0xbe: {  	[sflag:s0] =	ssyncadd.remote.s32 $0x1  }
0xbf: {  	_ =	sfence.sel $0xFFFF  }
0xc0: {  	[dreg:$0x0] =	wrdreg $0xFFFFFFFF;
	(pc) =	sbr.abs _section_cstart, $3  }
0xc1: {  	[dreg:$0x1] =	wrdreg $0xFFFFFFFF  }
0xc2: {  	_ =	task.clear_ibuf [dreg:s7], $0x2FFFF;
	_ =	strace $0x9FFFFFFF  }
0xc3: {  	(tm) =	ssettm $0x7FFFFFFF  }
tec
execute0_lowered:
.L_overlay_start_1:
0x0: {  	(tag) =	ssettag $0x1  }
0x1: {  	s1 =	rddreg [dreg:$0x0]  }
0x2: {  	s0 =	srdreg.scid;
	s6 =	rddreg [dreg:$0x1]  }
0x3: {  	s3 =	rddreg [dreg:$0x2];
	s4 =	simm.s32 $0x0;
	s5 =	sand.u32 $0x1, s0  }
0x4: {  	s15 =	simm.s32 $0x80;
	s0 =	stileid.u32;
	s8 =	smul.u32 $0x2780, s5  }
0x5: {  	s16 =	simm.s32 $0x5000;
	s17 =	simm.s32 $0x1;
	s10 =	smul.u32 $0x4E400, s0  }
0x6: {  	s20 =	simm.s32 $0x0;
	[smem:$0x7FF] =	sst s4;
	s12 =	smul.u32 $0x138800, s5  }
0x7: {  	s11 =	sadd.s32 $0x15800, s6;
	s19 =	sadd.s32 $0x138000, s3;
	s23 =	smul.u32 $0x13800, s0  }
0x8: {  	s2 =	sshll.u32 s5, $0x4;
	s9 =	ssub.s32 $0x2, s5;
	s25 =	smul.u32 $0x4E000, s0  }
0x9: {  	s31 =	sshll.u32 s0, $0x6;
	p0 =	sne.s32 s0, $0xF;
	s7 =	sor.u32 s0, s2  }
0xa: {  	s2 =	rddreg [dreg:$0x3];
	_ =	strace $0x8000004A;
	s22 =	sshrl.u32 s9, $0x1  }
0xb: {  	s19 =	sshrl.u32 @!p0 s19, $0x3;
	s7 =	smul.u32 $0x500, s7;
	s8 =	sadd.s32 s8, s6  }
0xc: {  	s13 =	ssub.s32 s9, s22;
	s24 =	sshrl.u32 s10, $0x2;
	s26 =	sadd.s32 s23, s12  }
0xd: {  	s28 =	sshrl.u32 s25, $0x2;
	s29 =	sshrl.u32 s12, $0x3;
	s12 =	simm.s32 $0x2800  }
0xe: {  	s14 =	sadd.s32 s24, s3;
	s18 =	sadd.s32 s28, s3;
	s30 =	sadd.s32 s11, s29  }
0xf: {  	s10 =	smax.u32 s13, $0x1;
	s13 =	sor.u32 $0x1C02, s31;
	s7 =	sadd.s32 s7, s6  }
0x10: {  	s9 =	sadd.s32 $0x27000, s30;
	s14 =	sshrl.u32 s14, $0x3;
	s5 =	sadd.s32 $0x1800, s7  }
0x11: {  	s6 =	sadd.s32 $0xB800, s7;
	s7 =	sadd.s32 $0x68A00, s8;
	s8 =	sshrl.u32 s26, $0x3  }
0x12: {  	s18 =	sshrl.u32 s18, $0x3;
	s8 =	sadd.s32 s11, s8;
	s11 =	simm.s32 $0x2  }
.LBB2_1:
0x13: {  	[tilespmem:s4], [sflag:$0x2] =	stream.linear.gather [hbm4b:s5+s4], $0x2780, $0x38;
	[tilespmem:$0x1C900] =	vst v63  }
0x14: {  	_ =	swait.ge [sflag:s11], $0x2780  }
0x15: {  	[sflag:s11] =	ssyncset.done $0x0  }
0x16: {  	[sflag:s11] =	ssyncadd.s32 $0xFFFFD880  }
0x17: {  	[tilespmem:s12], [sflag:$0x2] =	stream.linear.gather [hbm4b:s6+s4], $0x2780, $0x38;
	[tilespmem:$0x1C900] =	vst v63  }
0x18: {  	_ =	swait.ge [sflag:s11], $0x2780  }
0x19: {  	[sflag:s11] =	ssyncset.done $0x0  }
0x1a: {  	[sflag:s11] =	ssyncadd.s32 $0xFFFFD880  }
0x1b: {  	[spmem:s14], [sflag:s13] =	dma.local [hbm:s7], $0x2720  }
0x1c: {  	_ =	swait.ge [sflag:s11], $0x2720  }
0x1d: {  	[sflag:s11] =	ssyncset.done $0x0  }
0x1e: {  	[sflag:s11] =	ssyncadd.s32 $0xFFFFD8E0  }
0x1f: {  	s21 =	simm.s32 $0x0;
	[bflag:$0x0] =	sbarrier.arrive $0xFFFF  }
0x20: {  	[tilespmem:s16], [sflag:$0x1] =	stream.indirect.gather [hbm4b:s1+s15], $0x80, s21, s15, $0xb8;
	[tilespmem:$0x1C900] =	vst v63  }
0x21: {  	_ =	swait.ge [sflag:s17], $0x4000  }
0x22: {  	[sflag:s17] =	ssyncset.done $0x0  }
0x23: {  	s31 =	simm.s32 $0x2800;
	[sflag:s17] =	ssyncadd.s32 $0xFFFFC000  }
0x24: {  	[spmem:s3] =	stream.indirect.scatter.add.f32 [tilespmem:s16], [sflag:$0x2], $0x80, s31, s15, $0xb8;
	[tilespmem:$0x1C900] =	vst v63  }
0x25: {  	_ =	swait.ge [sflag:s11], $0x4000  }
0x26: {  	s22 =	simm.s32 $0x400;
	s21 =	simm.s32 $0x200;
	[sflag:s11] =	ssyncset.done $0x0  }
.LBB2_2:
0x27: {  	s23 =	sshra.s32 s21, $0x2  }
0x28: {  	[sflag:s11] =	ssyncadd.s32 $0xFFFFC000;
	s21 =	smov.u32 s22;
	s24 =	sadd.s32 $0x200, s22  }
0x29: {  	[tilespmem:s16], [sflag:$0x1] =	stream.indirect.gather [hbm4b:s1+s15], $0x80, s23, s15, $0xb8;
	[tilespmem:$0x1C900] =	vst v63  }
0x2a: {  	p1 =	sne.s32 s22, $0x9C00;
	_ =	swait.ge [sflag:s17], $0x4000  }
.Ltmp0:
0x2b: {  	[sflag:s17] =	ssyncset.done $0x0;
	(pc) =	sbr.rel @p1 .LBB2_2-.Ltmp0, $4  }
0x2c: {  	s22 =	sadd.s32 $0x2800, s23;
	[sflag:s17] =	ssyncadd.s32 $0xFFFFC000  }
0x2d: {  	[spmem:s3] =	stream.indirect.scatter.add.f32 [tilespmem:s16], [sflag:$0x2], $0x80, s22, s15, $0xb8;
	[tilespmem:$0x1C900] =	vst v63  }
0x2e: {  	_ =	swait.ge [sflag:s11], $0x4000  }
0x2f: {  	s22 =	smov.u32 s24;
	[sflag:s11] =	ssyncset.done $0x0  }
0x30: {  	s21 =	sshra.s32 s21, $0x2;
	[sflag:s11] =	ssyncadd.s32 $0xFFFFC000  }
0x31: {  	[tilespmem:s16], [sflag:$0x1] =	stream.indirect.gather [hbm4b:s1+s15], $0x80, s21, s15, $0xb8;
	[tilespmem:$0x1C900] =	vst v63  }
0x32: {  	_ =	swait.ge [sflag:s17], $0x4000  }
0x33: {  	[sflag:s17] =	ssyncset.done $0x0  }
0x34: {  	s21 =	sadd.s32 $0x2800, s21;
	[sflag:s17] =	ssyncadd.s32 $0xFFFFC000  }
0x35: {  	[spmem:s3] =	stream.indirect.scatter.add.f32 [tilespmem:s16], [sflag:$0x2], $0x80, s21, s15, $0xb8;
	[tilespmem:$0x1C900] =	vst v63  }
0x36: {  	_ =	swait.ge [sflag:s11], $0x4000  }
0x37: {  	[sflag:s11] =	ssyncset.done $0x0  }
0x38: {  	[sflag:s11] =	ssyncadd.s32 $0xFFFFC000  }
0x39: {  	[bflag:$0x0] =	sbarrier.arrive $0xFFFF  }
0x3a: {  	[hbm:s8], [sflag:s13] =	dma.local [spmem:s18], $0x2700  }
0x3b: {  	s20 =	sadd.s32 $0x1, s20;
	_ =	swait.ge [sflag:s11], $0x2700  }
0x3c: {  	p1 =	sne.s32 s20, s10;
	[sflag:s11] =	ssyncset.done $0x0  }
.Ltmp1:
0x3d: {  	s21 =	simm.s32 @!p0 $0x2;
	[sflag:s11] =	ssyncadd.s32 $0xFFFFD900;
	(pc) =	sbr.rel @p1 .LBB2_1-.Ltmp1, $4  }
0x3e: {  	[hbm:s9], [sflag:s13] =	dma.local @!p0 [spmem:s19], $0x100  }
0x3f: {  	_ =	swait.ge @!p0 [sflag:s21], $0x100  }
0x40: {  	[sflag:s21] =	ssyncset.done @!p0 $0x0  }
0x41: {  	[sflag:s21] =	ssyncadd.s32 @!p0 $0xFFFFFF00  }
0x42: {  	_ =	sfence.sel $0x180000  }
0x43: {  	[bflag:$0x0] =	sbarrier.arrive $0xFFFF  }
0x44: {  	p0 =	sne.s32 s0, $0x0;
	_ =	strace $0x9000004A  }
0x45: {  	s0 =	sadd.s32 @!p0 $0x100000, s2;
	[bflag:$0x2] =	sbarrier.arrive $0xFFFF  }
0x46: {  	[sflag:s0] =	ssyncadd.tile.s32 @!p0 $0x1;
	_ =	shalt  }
.Lfunc_end2:
_tile_overlayer_lowered:
.L_overlay_start_2:
0x47: {  	(tag) =	ssettag $0x2  }
0x48: {  	s0 =	rddreg [dreg:$0x0];
	s2 =	stileid.u32  }
0x49: {  	s1 =	rddreg [dreg:$0x1];
	p0 =	sne.s32 s2, $0x0  }
0x4a: {  	s3 =	rddreg [dreg:$0x2];
	[bflag:$0x3] =	sbarrier.arrive $0xFFFF;
	s2 =	simm.s32 @!p0 $0x1C02  }
0x4b: {  	[timem:s3], [sflag:s2] =	dma.local @!p0 [hbm:s0], s1  }
0x4c: {  	s0 =	simm.s32 @!p0 $0x2  }
0x4d: {  	_ =	swait.ge @!p0 [sflag:s0], s1  }
0x4e: {  	s1 =	ssub.s32 @!p0 $0x0, s1;
	[sflag:s0] =	ssyncset.done @!p0 $0x0  }
0x4f: {  	[sflag:s0] =	ssyncadd.s32 @!p0 s1  }
0x50: {  	[bflag:$0x3] =	sbarrier.arrive $0xFFFF  }
0x51: {  	_ =	shalt  }

// kernel: kernel.7.cloned.1.call-start
scs
__scs_entry_jumppad:
0x0: {  	(pc) =	sbr.rel $0x88, $3  }
0x1: {  	(tag) =	ssettag $0x0;
	lr =	simm.s32 $0x1  }
0x2: {  	[smem:$0x3F9B] =	sst lr;
	_ =	strace $0xD0000000  }
0x3: {  	_ = 	snop  }
0x4: {  	_ = 	snop  }
0x5: {  	_ = 	snop  }
0x6: {  	_ = 	snop  }
0x7: {  	_ = 	snop  }
__scs_overlays_trampoline_lowered:
0x8: {  	[smem:$0x3FAA] =	sst s0  }
0x9: {  	[smem:$0x3FAB] =	sst s1  }
0xa: {  	[smem:$0x3FAC] =	sst s2  }
0xb: {  	[smem:$0x3FAD] =	sst s3  }
0xc: {  	[smem:$0x3FAE] =	sst s4  }
0xd: {  	[smem:$0x3FAF] =	sst s5  }
0xe: {  	[smem:$0x3FB0] =	sst s6  }
0xf: {  	[smem:$0x3FB1] =	sst s7  }
0x10: {  	[smem:$0x3FB2] =	sst s8  }
0x11: {  	[smem:$0x3FB3] =	sst s9;
	s0 =	simm.s32 @!p0 $0x0  }
0x12: {  	s1 =	sld [smem:$0x3F99];
	s0 =	simm.s32 @p0 $0x1  }
0x13: {  	[smem:$0x3FB4] =	sst s0;
	s0 =	simm.s32 @!p1 $0x0  }
0x14: {  	s2 =	sld [smem:$0x3F98];
	s0 =	simm.s32 @p1 $0x1  }
0x15: {  	[smem:$0x3FB5] =	sst s0;
	s0 =	simm.s32 @!p2 $0x0  }
0x16: {  	s3 =	sld [smem:$0x3FDB];
	s0 =	simm.s32 @p2 $0x1  }
0x17: {  	s4 =	simm.s32 $0x1BF5;
	[smem:$0x3FB7] =	sst s0  }
0x18: {  	s0 =	sld [smem:$0x3F9A];
	_ =	swait.ge [sflag:s4], $0x0  }
0x19: {  	s7 =	sld [smem:$0x3F9B]  }
0x1a: {  	s8 =	sadd.s32 $0xFFFFE003, lr  }
0x1b: {  	s9 =	sadd.s32 $0xFFFFFEF7, lr;
	s5 =	simm.s32 $0xFFFFFFFF;
	p2 =	slt.u32 s8, $0xFFFFF086  }
0x1c: {  	p1 =	slt.u32 s9, $0xF7A;
	s5 =	simm.s32 @!p2 $0x0  }
0x1d: {  	s5 =	simm.s32 @p1 $0x1;
	p0 =	seq.s32 s7, s2  }
0x1e: {  	s7 =	smul.u32 @!p0 $0xF7A, s2;
	p2 =	seq.s32 @!p0 s5, $0x0  }
0x1f: {  	s9 =	smul.u32 $0xF7A, s1;
	s8 =	simm.s32 @!p0 $0x1BF5;
	p2 =	por !p2, p0  }
0x20: {  	[sflag:s8] =	ssyncset.s32 @!p0 $0xFFFFF086;
	s6 =	sadd.s32 @!p0 s3, s7;
	s7 =	simm.s32 @!p0 $0x108  }
0x21: {  	s3 =	sadd.s32 s3, s9;
	s6 =	sadd.s32 @!p0 $0x88, s6;
	s7 =	simm.s32 @p2 $0x1082  }
0x22: {  	[simem:s7], [sflag:s8] =	dma.local @!p0 [hbm:s6], $0xF7A  }
0x23: {  	s9 =	sor.u32 $0xD0000000, s2;
	s6 =	simm.s32 $0x108;
	_ =	swait.ge @!p0 [sflag:s8], $0x0  }
0x24: {  	s3 =	sadd.s32 $0x88, s3;
	s6 =	simm.s32 @!p1 $0x1082;
	[sflag:s4] =	ssyncset.s32 $0xFFFFF086  }
0x25: {  	[simem:s6], [sflag:s4] =	dma.local [hbm:s3], $0xF7A  }
0x26: {  	[smem:$0x3F9B] =	sst s1;
	(tag) =	ssettag s2;
	_ =	strace s9  }
0x27: {  	s1 =	sld [smem:$0x3FAB]  }
0x28: {  	s2 =	sld [smem:$0x3FAC]  }
0x29: {  	s4 =	sld [smem:$0x3FAE]  }
0x2a: {  	p0 =	seq.s32 s5, $0x0;
	s5 =	sld [smem:$0x3FAF]  }
0x2b: {  	s6 =	sld [smem:$0x3FB0]  }
0x2c: {  	s7 =	sld [smem:$0x3FB1]  }
0x2d: {  	s3 =	simm.s32 $0x108;
	s8 =	sld [smem:$0x3FB2]  }
0x2e: {  	s3 =	simm.s32 @!p0 $0x1082;
	s9 =	sld [smem:$0x3FB3]  }
0x2f: {  	lr =	sadd.s32 s0, s3;
	s0 =	sld [smem:$0x3FAA]  }
0x30: {  	s3 =	sld [smem:$0x3FAD]  }
0x31: {  	[smem:$0x3FB6] =	sst s10  }
0x32: {  	s10 =	sld [smem:$0x3FB4];
	_ =	sdelay $0x3  }
0x33: {  	p0 =	seq.s32 s10, $0x1;
	s10 =	sld [smem:$0x3FB6];
	_ =	sdelay $0x3  }
0x34: {  	[smem:$0x3FB6] =	sst s10  }
0x35: {  	s10 =	sld [smem:$0x3FB5];
	_ =	sdelay $0x3  }
0x36: {  	p1 =	seq.s32 s10, $0x1;
	s10 =	sld [smem:$0x3FB6];
	_ =	sdelay $0x3  }
0x37: {  	[smem:$0x3FB6] =	sst s10  }
0x38: {  	s10 =	sld [smem:$0x3FB7]  }
0x39: {  	_ = 	snop;
	(pc) =	sbr.ind lr, $3  }
0x3a: {  	_ = 	snop  }
0x3b: {  	_ = 	snop  }
0x3c: {  	p2 =	seq.s32 s10, $0x1;
	s10 =	sld [smem:$0x3FB6]  }
0x3d: {  	_ =	shalt  }
0x3e: {  	_ =	shalt  }
0x3f: {  	_ =	shalt  }
0x40: {  	_ =	shalt  }
0x41: {  	_ =	shalt  }
0x42: {  	_ =	shalt  }
0x43: {  	_ =	shalt  }
0x44: {  	_ =	shalt  }
0x45: {  	_ =	shalt  }
0x46: {  	_ =	shalt  }
0x47: {  	_ =	shalt  }
0x48: {  	_ =	shalt  }
0x49: {  	_ =	shalt  }
0x4a: {  	_ =	shalt  }
0x4b: {  	_ =	shalt  }
0x4c: {  	_ =	shalt  }
0x4d: {  	_ =	shalt  }
0x4e: {  	_ =	shalt  }
0x4f: {  	_ =	shalt  }
0x50: {  	_ =	shalt  }
0x51: {  	_ =	shalt  }
0x52: {  	_ =	shalt  }
0x53: {  	_ =	shalt  }
0x54: {  	_ =	shalt  }
0x55: {  	_ =	shalt  }
0x56: {  	_ =	shalt  }
0x57: {  	_ =	shalt  }
0x58: {  	_ =	shalt  }
0x59: {  	_ =	shalt  }
0x5a: {  	_ =	shalt  }
0x5b: {  	_ =	shalt  }
0x5c: {  	_ =	shalt  }
0x5d: {  	_ =	shalt  }
0x5e: {  	_ =	shalt  }
0x5f: {  	_ =	shalt  }
0x60: {  	_ =	shalt  }
0x61: {  	_ =	shalt  }
0x62: {  	_ =	shalt  }
0x63: {  	_ =	shalt  }
0x64: {  	_ =	shalt  }
0x65: {  	_ =	shalt  }
0x66: {  	_ =	shalt  }
0x67: {  	_ =	shalt  }
0x68: {  	_ =	shalt  }
0x69: {  	_ =	shalt  }
0x6a: {  	_ =	shalt  }
0x6b: {  	_ =	shalt  }
0x6c: {  	_ =	shalt  }
0x6d: {  	_ =	shalt  }
0x6e: {  	_ =	shalt  }
0x6f: {  	_ =	shalt  }
0x70: {  	_ =	shalt  }
0x71: {  	_ =	shalt  }
0x72: {  	_ =	shalt  }
0x73: {  	_ =	shalt  }
0x74: {  	_ =	shalt  }
0x75: {  	_ =	shalt  }
0x76: {  	_ =	shalt  }
0x77: {  	_ =	shalt  }
0x78: {  	_ =	shalt  }
0x79: {  	_ =	shalt  }
0x7a: {  	_ =	shalt  }
0x7b: {  	_ =	shalt  }
0x7c: {  	_ =	shalt  }
0x7d: {  	_ =	shalt  }
0x7e: {  	_ =	shalt  }
0x7f: {  	_ =	shalt  }
0x80: {  	_ =	shalt  }
0x81: {  	_ =	shalt  }
0x82: {  	_ =	shalt  }
0x83: {  	_ =	shalt  }
0x84: {  	_ =	shalt  }
0x85: {  	_ =	shalt  }
0x86: {  	_ =	shalt  }
0x87: {  	_ =	shalt  }
.Lfunc_end0:
.L_simem_size_0:
called_computation_lowered:
.L_overlay_start_0:
0x88: {  	s2 =	sld [smem:$0x3FD9]  }
0x89: {  	s3 =	sld [smem:$0x3FFE];
	_ =	sdelay $0x1  }
0x8a: {  	s1 =	srdreg.scid  }
0x8b: {  	s0 =	sand.u32 $0x1, s1  }
0x8c: {  	s17 =	sshll.u32 s0, $0xA;
	s2 =	sadd.s32 s3, s2  }
0x8d: {  	s2 =	sadd.s32 s2, s17  }
0x8e: {  	[smem:$0x3FC2] =	sst s2  }
0x8f: {  	_ = 	snop  }
0x90: {  	s2 =	sld [smem:$0x3FD0];
	(tm) =	ssettm $0x1  }
0x91: {  	s18 =	sld [smem:$0x3FFB];
	_ =	sdelay $0x3  }
0x92: {  	_ =	strace s18  }
0x93: {  	s3 =	sld [smem:$0x3FFC];
	_ =	sdelay $0x3  }
0x94: {  	_ =	strace s3  }
0x95: {  	s3 =	sld [smem:$0x3FFD];
	_ =	sdelay $0x3  }
0x96: {  	_ =	strace s3  }
0x97: {  	_ =	strace $0x8FFFFFFF  }
0x98: {  	s19 =	sld [smem:$0x3FDB];
	_ =	sdelay $0x1  }
0x99: {  	s4 =	simm.s32 $_scs_section_size  }
0x9a: {  	s5 =	simm.s32 $_size__tile_overlayer_lowered;
	s6 =	simm.s32 $_tile_overlayer_lowered  }
0x9b: {  	s22 =	simm.s32 $0x1BFF;
	s21 =	sshll.u32 s6, $0x1;
	s3 =	sadd.s32 s4, s19  }
0x9c: {  	s7 =	simm.s32 $0x0;
	s20 =	sshll.u32 s5, $0x1;
	s5 =	sadd.s32 s21, s3  }
0x9d: {  	[timem:s7], [sflag:s22] =	dma.local [hbm:s5], s20  }
0x9e: {  	_ =	swait.ge [sflag:s22], s20  }
0x9f: {  	s4 =	ssub.s32 $0x0, s20;
	[sflag:s22] =	ssyncset.done $0x0  }
0xa0: {  	[sflag:s22] =	ssyncadd.s32 s4;
	_ =	sdelay $0x1  }
0xa1: {  	s23 =	simm.s32 $0x1B8B  }
0xa2: {  	_ =	swait.ge [sflag:s23], $0x1  }
0xa3: {  	[sflag:s23] =	ssyncset.done $0x0  }
0xa4: {  	s25 =	simm.s32 $0x1B8E;
	s24 =	sld [smem:$0x3FFE];
	[sflag:s23] =	ssyncadd.s32 $0xFFFFFFFF  }
0xa5: {  	s26 =	simm.s32 $execute0_lowered;
	[smem:$0x3FD2] =	sst s25  }
0xa6: {  	s5 =	sshll.u32 s26, $0x1;
	_ =	strace $0x80000046;
	[dreg:$0x1] =	wrdreg $0xFFFFFFFF  }
0xa7: {  	s28 =	simm.s32 $_size_execute0_lowered;
	s3 =	sadd.s32 s3, s5;
	[dreg:$0x0] =	wrdreg $0x0  }
0xa8: {  	s5 =	sshll.u32 s28, $0x1;
	[dreg:$0x2] =	wrdreg s3  }
0xa9: {  	[dreg:$0x3] =	wrdreg s5  }
0xaa: {  	[dreg:$0x4] =	wrdreg $0xC0  }
0xab: {  	_ =	task [dreg:s7], $0x5FFFF  }
0xac: {  	[dreg:$0x1] =	wrdreg $0xFFFFFFFF  }
0xad: {  	[dreg:$0x0] =	wrdreg $0x60  }
0xae: {  	[dreg:$0x2] =	wrdreg s2  }
0xaf: {  	[dreg:$0x3] =	wrdreg s24  }
0xb0: {  	[dreg:$0x4] =	wrdreg $0x90000  }
0xb1: {  	[dreg:$0x5] =	wrdreg $0x9  }
0xb2: {  	_ =	task.clear_ibuf [dreg:s7], $0x6FFFF;
	_ =	strace $0x90000046  }
0xb3: {  	s29 =	simm.s32 $0x9;
	_ =	strace $0x80000048  }
0xb4: {  	_ =	swait.ge [sflag:s29], $0x1  }
0xb5: {  	[sflag:s29] =	ssyncadd.s32 $0xFFFFFFFF  }
0xb6: {  	_ =	strace $0x90000048  }
0xb7: {  	_ =	sfence  }
0xb8: {  	s30 =	sld [smem:$0x0];
	_ =	sdelay $0x2  }
0xb9: {  	s31 =	sshll.u32 s1, $0xD;
	s1 =	sshrl.u32 s1, $0x2  }
0xba: {  	s3 =	sand.u32 $0x4000, s31;
	s1 =	sadd.s32 s1, s30  }
0xbb: {  	s0 =	sor.u32 s3, s0;
	s1 =	sshll.u32 s1, $0x11  }
0xbc: {  	s0 =	sor.u32 s1, s0  }
0xbd: {  	s0 =	sadd.s32 $0x8F2B, s0  }
0xbe: {  	[sflag:s0] =	ssyncadd.remote.s32 $0x1  }
0xbf: {  	_ =	sfence.sel $0xFFFF  }
0xc0: {  	[dreg:$0x0] =	wrdreg $0xFFFFFFFF;
	(pc) =	sbr.abs _section_cstart, $3  }
0xc1: {  	[dreg:$0x1] =	wrdreg $0xFFFFFFFF  }
0xc2: {  	_ =	task.clear_ibuf [dreg:s7], $0x2FFFF;
	_ =	strace $0x9FFFFFFF  }
0xc3: {  	(tm) =	ssettm $0x7FFFFFFF  }
tec
execute0_lowered:
.L_overlay_start_1:
0x0: {  	(tag) =	ssettag $0x1  }
0x1: {  	s1 =	rddreg [dreg:$0x0]  }
0x2: {  	s0 =	srdreg.scid;
	s6 =	rddreg [dreg:$0x1]  }
0x3: {  	s3 =	rddreg [dreg:$0x2];
	s4 =	simm.s32 $0x0;
	s5 =	sand.u32 $0x1, s0  }
0x4: {  	s15 =	simm.s32 $0x80;
	s0 =	stileid.u32;
	s8 =	smul.u32 $0x2780, s5  }
0x5: {  	s16 =	simm.s32 $0x5000;
	s17 =	simm.s32 $0x1;
	s10 =	smul.u32 $0x4E400, s0  }
0x6: {  	s20 =	simm.s32 $0x0;
	[smem:$0x7FF] =	sst s4;
	s12 =	smul.u32 $0x138800, s5  }
0x7: {  	s11 =	sadd.s32 $0x1A800, s6;
	s19 =	sadd.s32 $0x138000, s3;
	s23 =	smul.u32 $0x13800, s0  }
0x8: {  	s2 =	sshll.u32 s5, $0x4;
	s9 =	ssub.s32 $0x2, s5;
	s25 =	smul.u32 $0x4E000, s0  }
0x9: {  	s31 =	sshll.u32 s0, $0x6;
	p0 =	sne.s32 s0, $0xF;
	s7 =	sor.u32 s0, s2  }
0xa: {  	s2 =	rddreg [dreg:$0x3];
	_ =	strace $0x80000047;
	s22 =	sshrl.u32 s9, $0x1  }
0xb: {  	s19 =	sshrl.u32 @!p0 s19, $0x3;
	s7 =	smul.u32 $0x500, s7;
	s8 =	sadd.s32 s8, s6  }
0xc: {  	s13 =	ssub.s32 s9, s22;
	s24 =	sshrl.u32 s10, $0x2;
	s26 =	sadd.s32 s23, s12  }
0xd: {  	s28 =	sshrl.u32 s25, $0x2;
	s29 =	sshrl.u32 s12, $0x3;
	s12 =	simm.s32 $0x2800  }
0xe: {  	s14 =	sadd.s32 s24, s3;
	s18 =	sadd.s32 s28, s3;
	s30 =	sadd.s32 s11, s29  }
0xf: {  	s10 =	smax.u32 s13, $0x1;
	s13 =	sor.u32 $0x1C02, s31;
	s7 =	sadd.s32 s7, s6  }
0x10: {  	s9 =	sadd.s32 $0x27000, s30;
	s14 =	sshrl.u32 s14, $0x3;
	s5 =	sadd.s32 $0x1800, s7  }
0x11: {  	s6 =	sadd.s32 $0xB800, s7;
	s7 =	sadd.s32 $0x15800, s8;
	s8 =	sshrl.u32 s26, $0x3  }
0x12: {  	s18 =	sshrl.u32 s18, $0x3;
	s8 =	sadd.s32 s11, s8;
	s11 =	simm.s32 $0x2  }
.LBB2_1:
0x13: {  	[tilespmem:s4], [sflag:$0x2] =	stream.linear.gather [hbm4b:s5+s4], $0x2780, $0x38;
	[tilespmem:$0x1C900] =	vst v63  }
0x14: {  	_ =	swait.ge [sflag:s11], $0x2780  }
0x15: {  	[sflag:s11] =	ssyncset.done $0x0  }
0x16: {  	[sflag:s11] =	ssyncadd.s32 $0xFFFFD880  }
0x17: {  	[tilespmem:s12], [sflag:$0x2] =	stream.linear.gather [hbm4b:s6+s4], $0x2780, $0x38;
	[tilespmem:$0x1C900] =	vst v63  }
0x18: {  	_ =	swait.ge [sflag:s11], $0x2780  }
0x19: {  	[sflag:s11] =	ssyncset.done $0x0  }
0x1a: {  	[sflag:s11] =	ssyncadd.s32 $0xFFFFD880  }
0x1b: {  	[spmem:s14], [sflag:s13] =	dma.local [hbm:s7], $0x2720  }
0x1c: {  	_ =	swait.ge [sflag:s11], $0x2720  }
0x1d: {  	[sflag:s11] =	ssyncset.done $0x0  }
0x1e: {  	[sflag:s11] =	ssyncadd.s32 $0xFFFFD8E0  }
0x1f: {  	s21 =	simm.s32 $0x0;
	[bflag:$0x0] =	sbarrier.arrive $0xFFFF  }
0x20: {  	[tilespmem:s16], [sflag:$0x1] =	stream.indirect.gather [hbm4b:s1+s15], $0x80, s21, s15, $0xb8;
	[tilespmem:$0x1C900] =	vst v63  }
0x21: {  	_ =	swait.ge [sflag:s17], $0x4000  }
0x22: {  	[sflag:s17] =	ssyncset.done $0x0  }
0x23: {  	s31 =	simm.s32 $0x2800;
	[sflag:s17] =	ssyncadd.s32 $0xFFFFC000  }
0x24: {  	[spmem:s3] =	stream.indirect.scatter.add.f32 [tilespmem:s16], [sflag:$0x2], $0x80, s31, s15, $0xb8;
	[tilespmem:$0x1C900] =	vst v63  }
0x25: {  	_ =	swait.ge [sflag:s11], $0x4000  }
0x26: {  	s22 =	simm.s32 $0x400;
	s21 =	simm.s32 $0x200;
	[sflag:s11] =	ssyncset.done $0x0  }
.LBB2_2:
0x27: {  	s23 =	sshra.s32 s21, $0x2  }
0x28: {  	[sflag:s11] =	ssyncadd.s32 $0xFFFFC000;
	s21 =	smov.u32 s22;
	s24 =	sadd.s32 $0x200, s22  }
0x29: {  	[tilespmem:s16], [sflag:$0x1] =	stream.indirect.gather [hbm4b:s1+s15], $0x80, s23, s15, $0xb8;
	[tilespmem:$0x1C900] =	vst v63  }
0x2a: {  	p1 =	sne.s32 s22, $0x9C00;
	_ =	swait.ge [sflag:s17], $0x4000  }
.Ltmp0:
0x2b: {  	[sflag:s17] =	ssyncset.done $0x0;
	(pc) =	sbr.rel @p1 .LBB2_2-.Ltmp0, $4  }
0x2c: {  	s22 =	sadd.s32 $0x2800, s23;
	[sflag:s17] =	ssyncadd.s32 $0xFFFFC000  }
0x2d: {  	[spmem:s3] =	stream.indirect.scatter.add.f32 [tilespmem:s16], [sflag:$0x2], $0x80, s22, s15, $0xb8;
	[tilespmem:$0x1C900] =	vst v63  }
0x2e: {  	_ =	swait.ge [sflag:s11], $0x4000  }
0x2f: {  	s22 =	smov.u32 s24;
	[sflag:s11] =	ssyncset.done $0x0  }
0x30: {  	s21 =	sshra.s32 s21, $0x2;
	[sflag:s11] =	ssyncadd.s32 $0xFFFFC000  }
0x31: {  	[tilespmem:s16], [sflag:$0x1] =	stream.indirect.gather [hbm4b:s1+s15], $0x80, s21, s15, $0xb8;
	[tilespmem:$0x1C900] =	vst v63  }
0x32: {  	_ =	swait.ge [sflag:s17], $0x4000  }
0x33: {  	[sflag:s17] =	ssyncset.done $0x0  }
0x34: {  	s21 =	sadd.s32 $0x2800, s21;
	[sflag:s17] =	ssyncadd.s32 $0xFFFFC000  }
0x35: {  	[spmem:s3] =	stream.indirect.scatter.add.f32 [tilespmem:s16], [sflag:$0x2], $0x80, s21, s15, $0xb8;
	[tilespmem:$0x1C900] =	vst v63  }
0x36: {  	_ =	swait.ge [sflag:s11], $0x4000  }
0x37: {  	[sflag:s11] =	ssyncset.done $0x0  }
0x38: {  	[sflag:s11] =	ssyncadd.s32 $0xFFFFC000  }
0x39: {  	[bflag:$0x0] =	sbarrier.arrive $0xFFFF  }
0x3a: {  	[hbm:s8], [sflag:s13] =	dma.local [spmem:s18], $0x2700  }
0x3b: {  	s20 =	sadd.s32 $0x1, s20;
	_ =	swait.ge [sflag:s11], $0x2700  }
0x3c: {  	p1 =	sne.s32 s20, s10;
	[sflag:s11] =	ssyncset.done $0x0  }
.Ltmp1:
0x3d: {  	s21 =	simm.s32 @!p0 $0x2;
	[sflag:s11] =	ssyncadd.s32 $0xFFFFD900;
	(pc) =	sbr.rel @p1 .LBB2_1-.Ltmp1, $4  }
0x3e: {  	[hbm:s9], [sflag:s13] =	dma.local @!p0 [spmem:s19], $0x100  }
0x3f: {  	_ =	swait.ge @!p0 [sflag:s21], $0x100  }
0x40: {  	[sflag:s21] =	ssyncset.done @!p0 $0x0  }
0x41: {  	[sflag:s21] =	ssyncadd.s32 @!p0 $0xFFFFFF00  }
0x42: {  	_ =	sfence.sel $0x180000  }
0x43: {  	[bflag:$0x0] =	sbarrier.arrive $0xFFFF  }
0x44: {  	p0 =	sne.s32 s0, $0x0;
	_ =	strace $0x90000047  }
0x45: {  	s0 =	sadd.s32 @!p0 $0x100000, s2;
	[bflag:$0x2] =	sbarrier.arrive $0xFFFF  }
0x46: {  	[sflag:s0] =	ssyncadd.tile.s32 @!p0 $0x1;
	_ =	shalt  }
.Lfunc_end2:
_tile_overlayer_lowered:
.L_overlay_start_2:
0x47: {  	(tag) =	ssettag $0x2  }
0x48: {  	s0 =	rddreg [dreg:$0x0];
	s2 =	stileid.u32  }
0x49: {  	s1 =	rddreg [dreg:$0x1];
	p0 =	sne.s32 s2, $0x0  }
0x4a: {  	s3 =	rddreg [dreg:$0x2];
	[bflag:$0x3] =	sbarrier.arrive $0xFFFF;
	s2 =	simm.s32 @!p0 $0x1C02  }
0x4b: {  	[timem:s3], [sflag:s2] =	dma.local @!p0 [hbm:s0], s1  }
0x4c: {  	s0 =	simm.s32 @!p0 $0x2  }
0x4d: {  	_ =	swait.ge @!p0 [sflag:s0], s1  }
0x4e: {  	s1 =	ssub.s32 @!p0 $0x0, s1;
	[sflag:s0] =	ssyncset.done @!p0 $0x0  }
0x4f: {  	[sflag:s0] =	ssyncadd.s32 @!p0 s1  }
0x50: {  	[bflag:$0x3] =	sbarrier.arrive $0xFFFF  }
0x51: {  	_ =	shalt  }

</sc_bundles>
